<compile_context>
chip_gen: v7x
topology: tpu7x:2x2x1
jax: 0.10.2.dev20260603
libtpu: 0.0.44.dev20260713+nightly
codegen_flags: <defaults>
</compile_context>

<pallas_src>
import functools

import jax
import jax.numpy as jnp
from jax import lax
from jax.experimental import pallas as pl
from jax.experimental.pallas import tpu as pltpu
from jax.experimental.pallas import tpu_sc as plsc

CUTS = (2000, 10000, 50000, 100000)
BT = 1024
BC = 4096
PCAP = 12288


def _matmul_body(x_ref, w_ref, o_ref):
    o_ref[...] = jax.lax.dot_general(
        x_ref[...].astype(jnp.bfloat16), w_ref[...], (((1,), (1,)), ((), ())),
        preferred_element_type=jnp.float32).astype(o_ref.dtype)


def _matmul(x, w, bt=2048):
    n, k = x.shape
    m = w.shape[0]
    bt = min(bt, n)
    return pl.pallas_call(
        _matmul_body,
        grid=(n // bt,),
        in_specs=[
            pl.BlockSpec((bt, k), lambda i: (i, 0)),
            pl.BlockSpec((m, k), lambda i: (0, 0)),
        ],
        out_specs=pl.BlockSpec((bt, m), lambda i: (i, 0)),
        out_shape=jax.ShapeDtypeStruct((n, m), jnp.bfloat16),
    )(x, w)


def _lse_body(hid_ref, w2_ref, rel_ref, out_ref, s_ref, t_ref,
              *, nblocks, bc, npad):
    c = pl.program_id(0)

    @pl.when(c == 0)
    def _init():
        s_ref[...] = jnp.zeros_like(s_ref)
        t_ref[...] = jnp.zeros_like(t_ref)

    logits = jax.lax.dot_general(
        hid_ref[...], w2_ref[...], (((1,), (1,)), ((), ())),
        preferred_element_type=jnp.float32)
    ids = c * bc + jax.lax.broadcasted_iota(jnp.int32, logits.shape, 1)
    rel = rel_ref[...]
    t_ref[...] += jnp.sum(jnp.where(ids == rel[:, None], logits, 0.0), axis=1)
    s_ref[...] += jnp.sum(jnp.exp(logits), axis=1)

    @pl.when(c == nblocks - 1)
    def _fin():
        out_ref[...] = t_ref[...] - jnp.log(s_ref[...] - float(npad))


def _lse(hid, w2, rel, c_actual, bc=BC):
    n, h = hid.shape
    cpad = w2.shape[0]
    nblocks = cpad // bc
    return pl.pallas_call(
        functools.partial(_lse_body, nblocks=nblocks, bc=bc,
                          npad=cpad - c_actual),
        grid=(nblocks,),
        in_specs=[
            pl.BlockSpec((n, h), lambda c: (0, 0)),
            pl.BlockSpec((bc, h), lambda c: (c, 0)),
            pl.BlockSpec((n,), lambda c: (0,)),
        ],
        out_specs=pl.BlockSpec((n,), lambda c: (0,)),
        out_shape=jax.ShapeDtypeStruct((n,), jnp.float32),
        scratch_shapes=[pltpu.VMEM((n,), jnp.float32)] * 2,
    )(hid, w2, rel)


def _routed_body(s_ref, hid_ref, w2_ref, rel_ref, out_ref, sacc_ref, tacc_ref,
                 *, ncb, bc, npad):
    c = pl.program_id(0)
    t = pl.program_id(1)
    nblk = s_ref[0]

    @pl.when(t < nblk)
    def _active():
        @pl.when(c == 0)
        def _init():
            sacc_ref[t, :] = jnp.zeros_like(sacc_ref[t, :])
            tacc_ref[t, :] = jnp.zeros_like(tacc_ref[t, :])

        logits = jax.lax.dot_general(
            hid_ref[...], w2_ref[...], (((1,), (1,)), ((), ())),
            preferred_element_type=jnp.float32)
        ids = c * bc + jax.lax.broadcasted_iota(jnp.int32, logits.shape, 1)
        rel = rel_ref[...]
        tacc_ref[t, :] += jnp.sum(
            jnp.where(ids == rel[:, None], logits, 0.0), axis=1)
        sacc_ref[t, :] += jnp.sum(jnp.exp(logits), axis=1)

        @pl.when(c == ncb - 1)
        def _fin():
            out_ref[...] = tacc_ref[t, :] - jnp.log(sacc_ref[t, :]
                                                    - float(npad))


def _routed_lse(hid_perm, col_blk, h, w2, rel_perm, scal, c_actual, ntok,
                bc=BC):
    cpad = w2.shape[0]
    ncb = cpad // bc
    tmax = max(1, (ntok + BT - 1) // BT)

    def row_blk(c, t, s):
        return jnp.clip(t, 0, jnp.maximum(s[0] - 1, 0)) + s[1]

    grid_spec = pltpu.PrefetchScalarGridSpec(
        num_scalar_prefetch=1,
        grid=(ncb, tmax),
        in_specs=[
            pl.BlockSpec((BT, h), lambda c, t, s: (row_blk(c, t, s), col_blk)),
            pl.BlockSpec((bc, h), lambda c, t, s: (c, 0)),
            pl.BlockSpec((BT,), lambda c, t, s: (row_blk(c, t, s),)),
        ],
        out_specs=pl.BlockSpec((BT,), lambda c, t, s: (row_blk(c, t, s),)),
        scratch_shapes=[pltpu.VMEM((tmax, BT), jnp.float32)] * 2,
    )
    return pl.pallas_call(
        functools.partial(_routed_body, ncb=ncb, bc=bc, npad=cpad - c_actual),
        grid_spec=grid_spec,
        out_shape=jax.ShapeDtypeStruct((PCAP,), jnp.float32),
    )(scal, hid_perm, w2, rel_perm)


def _sc_gather(table, idx):
    v, d = table.shape
    b = idx.shape[0]
    info = plsc.get_sparse_core_info()
    nc, ns = info.num_cores, info.num_subcores
    nw = nc * ns
    bw = b // nw
    chunk = min(bw, 128, max(8, 65536 // d))
    while bw % chunk:
        chunk -= 8
    nchunks = bw // chunk
    mesh = plsc.VectorSubcoreMesh(core_axis_name="c", subcore_axis_name="s")

    @functools.partial(
        pl.kernel, mesh=mesh,
        out_type=jax.ShapeDtypeStruct((b, d), table.dtype),
        scratch_types=[
            pltpu.VMEM((chunk,), jnp.int32),
            pltpu.VMEM((chunk, d), table.dtype),
            pltpu.SemaphoreType.DMA,
        ],
    )
    def k(table_hbm, idx_hbm, out_hbm, idx_v, rows_v, sem):
        wid = lax.axis_index("s") * nc + lax.axis_index("c")
        base = wid * bw
        for j in range(nchunks):
            off = base + j * chunk
            pltpu.sync_copy(idx_hbm.at[pl.ds(off, chunk)], idx_v)
            pltpu.async_copy(table_hbm.at[idx_v], rows_v, sem).wait()
            pltpu.sync_copy(rows_v, out_hbm.at[pl.ds(off, chunk)])

    return k(table, idx)


def _pad_bf16(w, mult):
    rows = w.shape[0]
    pad = (-rows) % mult
    w = w.astype(jnp.bfloat16)
    if pad:
        w = jnp.pad(w, ((0, pad), (0, 0)))
    return w


def kernel(inp, tgt, head_W, w1_0, w2_0, w1_1, w2_1, w1_2, w2_2):
    n = inp.shape[0]
    tail_w1 = (w1_0, w1_1, w1_2)
    tail_w2 = (w2_0, w2_1, w2_2)
    h_sizes = [w.shape[0] for w in tail_w1]
    offs = [0, h_sizes[0], h_sizes[0] + h_sizes[1], sum(h_sizes)]

    cid = ((tgt >= CUTS[0]).astype(jnp.int32)
           + (tgt >= CUTS[1]).astype(jnp.int32)
           + (tgt >= CUTS[2]).astype(jnp.int32))
    key = jnp.where(cid == 0, 4, cid)
    masks = [(key == k) for k in (1, 2, 3, 4)]
    ranks = [jnp.cumsum(m.astype(jnp.int32)) - 1 for m in masks]
    counts = jnp.stack([r[-1] + 1 for r in ranks])
    nblks = (counts + BT - 1) // BT
    aligned = jnp.concatenate([jnp.zeros((1,), jnp.int32),
                               jnp.cumsum(nblks * BT)[:3]])
    pos = jnp.zeros((n,), jnp.int32)
    for k in range(4):
        pos = jnp.where(masks[k], aligned[k] + ranks[k], pos)
    perm = jnp.zeros((PCAP,), jnp.int32).at[pos].set(
        jnp.arange(n, dtype=jnp.int32))

    hw = 1024
    w1_cat = _pad_bf16(jnp.concatenate(tail_w1, axis=0), hw)
    hid = _matmul(inp, w1_cat)

    hid_i32 = jax.lax.bitcast_convert_type(
        hid.reshape(n, hw // 2, 2), jnp.int32)
    hid_perm_i32 = _sc_gather(hid_i32, perm)
    hid_perm = jax.lax.bitcast_convert_type(
        hid_perm_i32, jnp.bfloat16).reshape(PCAP, hw)

    tgt_perm = tgt[perm]

    vals = []
    for i in range(3):
        low, high = CUTS[i], CUTS[i + 1]
        rel_perm = jnp.clip(tgt_perm - low, 0, high - low - 1)
        scal = jnp.stack([nblks[i], aligned[i] // BT]).astype(jnp.int32)
        vals.append(_routed_lse(hid_perm, offs[i] // h_sizes[i], h_sizes[i],
                                _pad_bf16(tail_w2[i], BC), rel_perm, scal,
                                high - low, n))

    gather_inds = jnp.where(tgt < CUTS[0], tgt,
                            CUTS[0] + jnp.clip(cid - 1, 0, 2))
    head_val = _lse(inp.astype(jnp.bfloat16), _pad_bf16(head_W, 512),
                    gather_inds, head_W.shape[0], bc=512)

    val_cat = jnp.concatenate(vals)
    tail_val = jnp.take(val_cat, jnp.clip(cid - 1, 0, 2) * PCAP + pos)
    out = head_val + jnp.where(cid > 0, tail_val, 0.0)
    return -out

# --- scband reference (transcript-rebuilt; emitter-appended) ---
"""Pipeline reference for scband-bmetadaptive-log-softmax-with-loss-46694884442523 (READ-ONLY COPY).

The authoritative reference and input builder live on the scoring server;
editing this copy changes nothing except your own understanding.
"""

import jax, jax.numpy as jnp
import numpy as np

IN_FEATURES = 1024
N_CLASSES = 100000
CUTOFFS = [2000, 10000, 50000, 100000]
DIV_VALUE = 2.0
N_TOKENS = 8192


def setup_inputs(seed: int = 0) -> dict:
    key = jax.random.key(seed)
    ks = jax.random.split(key, 10)
    inp = jax.random.normal(ks[0], (N_TOKENS, IN_FEATURES), dtype=jnp.float32)
    tgt = jax.random.randint(ks[1], (N_TOKENS,), 0, N_CLASSES, dtype=jnp.int32)
    head_size = CUTOFFS[0] + (len(CUTOFFS) - 1)
    head_W = jax.random.normal(ks[2], (head_size, IN_FEATURES), dtype=jnp.float32) * 0.02
    out = {"inp": inp, "tgt": tgt, "head_W": head_W}
    for i in range(len(CUTOFFS) - 1):
        hsz = int(IN_FEATURES // DIV_VALUE ** (i + 1))
        osz = CUTOFFS[i + 1] - CUTOFFS[i]
        out["w1_%d" % i] = jax.random.normal(ks[3 + 2 * i], (hsz, IN_FEATURES), dtype=jnp.float32) * 0.02
        out["w2_%d" % i] = jax.random.normal(ks[4 + 2 * i], (osz, hsz), dtype=jnp.float32) * 0.02
    return out


def _forward(inp, tgt, head_W, tail_ws):
    n = inp.shape[0]
    head_out = inp @ head_W.T
    head_logprob = jax.nn.log_softmax(head_out, axis=1)
    output = jnp.zeros((n,), dtype=inp.dtype)
    gather_inds = jnp.where(tgt < CUTOFFS[0], tgt, 0)
    for i in range(1, len(CUTOFFS)):
        low, high = CUTOFFS[i - 1], CUTOFFS[i]
        mask = (tgt >= low) & (tgt < high)
        cluster_index = CUTOFFS[0] + i - 1
        gather_inds = jnp.where(mask, cluster_index, gather_inds)
        w1, w2 = tail_ws[i - 1]
        hidden = inp @ w1.T
        logits = hidden @ w2.T
        cluster_logprob = jax.nn.log_softmax(logits, axis=1)
        rel = jnp.clip(tgt - low, 0, high - low - 1)
        local = jnp.take_along_axis(cluster_logprob, rel[:, None], axis=1)[:, 0]
        output = jnp.where(mask, local, output)
    head_gather = jnp.take_along_axis(head_logprob, gather_inds[:, None], axis=1)[:, 0]
    output = output + head_gather
    return -output


def reference(inp, tgt, head_W, w1_0, w2_0, w1_1, w2_1, w1_2, w2_2):
    tail_ws = [(w1_0, w2_0), (w1_1, w2_1), (w1_2, w2_2)]
    return _forward(inp, tgt, head_W, tail_ws)

if __name__ == "__main__":
    import jax
    _d = setup_inputs()
    print(jax.jit(kernel)(*tuple(_d.values())))

</pallas_src>

<mosaic_0001>
#map = affine_map<(d0, d1) -> (0, 0)>
#map1 = affine_map<(d0, d1) -> (0)>
module attributes {stable_mosaic.version = 14 : i64} {
  func.func @k(%arg0: i32, %arg1: i32, %arg2: memref<8192x512xi32, #tpu.memory_space<hbm>>, %arg3: memref<12288xi32, #tpu.memory_space<hbm>>, %arg4: memref<12288x512xi32, #tpu.memory_space<hbm>>, %arg5: memref<128xi32, #tpu.memory_space<vmem>>, %arg6: memref<128x512xi32, #tpu.memory_space<vmem>>, %arg7: memref<!tpu.dma_semaphore, #tpu.memory_space<semaphore_mem>>) attributes {dimension_semantics = [#tpu.dimension_semantics<core_parallel>, #tpu.dimension_semantics<subcore_parallel>], iteration_bounds = array<i64: 2, 16>, scalar_prefetch = 0 : i64, scratch_operands = 3 : i64, tpu.core_type = #tpu.core_type<sc_vector_subcore>, window_params = [{transform_indices = #map}, {transform_indices = #map1}, {transform_indices = #map}]} {
    %mul3A = arith.constant 2 : i32
    %mul3A_0 = arith.muli %arg1, %mul3A : i32
    %add3A = arith.addi %mul3A_0, %arg0 : i32
    %mul3A_1 = arith.constant 384 : i32
    %mul3A_2 = arith.muli %add3A, %mul3A_1 : i32
    %add3A_3 = arith.constant 0 : i32
    %add3A_4 = arith.addi %mul3A_2, %add3A_3 : i32
    "tpu.region"() ({
      %run_scoped3A = tpu.sem_alloc : memref<!tpu.dma_semaphore, #tpu.memory_space<semaphore_mem>>
      %dma_start3A_25 = tpu.memref_slice %arg3[%add3A_4] : memref<12288xi32, #tpu.memory_space<hbm>> -> memref<128xi32, #tpu.memory_space<hbm>>
      %dma_start3A_26 = tpu.memref_slice %arg3[%add3A_4] : memref<12288xi32, #tpu.memory_space<hbm>> -> memref<128xi32, #tpu.memory_space<hbm>>
      tpu.enqueue_dma source(%dma_start3A_26 : memref<128xi32, #tpu.memory_space<hbm>>) target(%arg5 : memref<128xi32, #tpu.memory_space<vmem>>) target_semaphore(%run_scoped3A : memref<!tpu.dma_semaphore, #tpu.memory_space<semaphore_mem>>)
      %dma_wait3A_27 = tpu.memref_slice %arg3[%add3A_4] : memref<12288xi32, #tpu.memory_space<hbm>> -> memref<128xi32, #tpu.memory_space<hbm>>
      %dma_wait3A_28 = tpu.memref_slice %arg3[%add3A_4] : memref<12288xi32, #tpu.memory_space<hbm>> -> memref<128xi32, #tpu.memory_space<hbm>>
      tpu.wait_dma2 semaphore(%run_scoped3A : memref<!tpu.dma_semaphore, #tpu.memory_space<semaphore_mem>>) src(%dma_wait3A_28 : memref<128xi32, #tpu.memory_space<hbm>>) dst(%arg5 : memref<128xi32, #tpu.memory_space<vmem>>)
      tpu.yield
    }) : () -> ()
    %dma_start3A = arith.constant 0 : i32
    %dma_start3A_5 = arith.constant 0 : i32
    %dma_start3A_6 = tpu.memref_slice %arg2[%dma_start3A, %dma_start3A_5] : memref<8192x512xi32, #tpu.memory_space<hbm>> -> memref<8192x512xi32, #tpu.memory_space<hbm>>
    tpu.enqueue_indirect_dma source(%dma_start3A_6 : memref<8192x512xi32, #tpu.memory_space<hbm>>) target(%arg6 : memref<128x512xi32, #tpu.memory_space<vmem>>) offsets(%arg5 : memref<128xi32, #tpu.memory_space<vmem>>) semaphore(%arg7 : memref<!tpu.dma_semaphore, #tpu.memory_space<semaphore_mem>>)
    %dma_wait3A = arith.constant 0 : i32
    %dma_wait3A_7 = arith.constant 0 : i32
    %dma_wait3A_8 = tpu.memref_slice %arg2[%dma_wait3A, %dma_wait3A_7] : memref<8192x512xi32, #tpu.memory_space<hbm>> -> memref<8192x512xi32, #tpu.memory_space<hbm>>
    tpu.wait_indirect_dma semaphore(%arg7 : memref<!tpu.dma_semaphore, #tpu.memory_space<semaphore_mem>>) src(%dma_wait3A_8 : memref<8192x512xi32, #tpu.memory_space<hbm>>) dst(%arg6 : memref<128x512xi32, #tpu.memory_space<vmem>>)
    "tpu.region"() ({
      %run_scoped3A = tpu.sem_alloc : memref<!tpu.dma_semaphore, #tpu.memory_space<semaphore_mem>>
      %dma_start3A_25 = arith.constant 0 : i32
      %dma_start3A_26 = tpu.memref_slice %arg4[%add3A_4, %dma_start3A_25] : memref<12288x512xi32, #tpu.memory_space<hbm>> -> memref<128x512xi32, #tpu.memory_space<hbm>>
      %dma_start3A_27 = arith.constant 0 : i32
      %dma_start3A_28 = tpu.memref_slice %arg4[%add3A_4, %dma_start3A_27] : memref<12288x512xi32, #tpu.memory_space<hbm>> -> memref<128x512xi32, #tpu.memory_space<hbm>>
      tpu.enqueue_dma source(%arg6 : memref<128x512xi32, #tpu.memory_space<vmem>>) target(%dma_start3A_28 : memref<128x512xi32, #tpu.memory_space<hbm>>) target_semaphore(%run_scoped3A : memref<!tpu.dma_semaphore, #tpu.memory_space<semaphore_mem>>)
      %dma_wait3A_29 = arith.constant 0 : i32
      %dma_wait3A_30 = tpu.memref_slice %arg4[%add3A_4, %dma_wait3A_29] : memref<12288x512xi32, #tpu.memory_space<hbm>> -> memref<128x512xi32, #tpu.memory_space<hbm>>
      %dma_wait3A_31 = arith.constant 0 : i32
      %dma_wait3A_32 = tpu.memref_slice %arg4[%add3A_4, %dma_wait3A_31] : memref<12288x512xi32, #tpu.memory_space<hbm>> -> memref<128x512xi32, #tpu.memory_space<hbm>>
      tpu.wait_dma2 semaphore(%run_scoped3A : memref<!tpu.dma_semaphore, #tpu.memory_space<semaphore_mem>>) src(%arg6 : memref<128x512xi32, #tpu.memory_space<vmem>>) dst(%dma_wait3A_32 : memref<128x512xi32, #tpu.memory_space<hbm>>)
      tpu.yield
    }) : () -> ()
    %add3A_9 = arith.constant 128 : i32
    %add3A_10 = arith.addi %mul3A_2, %add3A_9 : i32
    "tpu.region"() ({
      %run_scoped3A = tpu.sem_alloc : memref<!tpu.dma_semaphore, #tpu.memory_space<semaphore_mem>>
      %dma_start3A_25 = tpu.memref_slice %arg3[%add3A_10] : memref<12288xi32, #tpu.memory_space<hbm>> -> memref<128xi32, #tpu.memory_space<hbm>>
      %dma_start3A_26 = tpu.memref_slice %arg3[%add3A_10] : memref<12288xi32, #tpu.memory_space<hbm>> -> memref<128xi32, #tpu.memory_space<hbm>>
      tpu.enqueue_dma source(%dma_start3A_26 : memref<128xi32, #tpu.memory_space<hbm>>) target(%arg5 : memref<128xi32, #tpu.memory_space<vmem>>) target_semaphore(%run_scoped3A : memref<!tpu.dma_semaphore, #tpu.memory_space<semaphore_mem>>)
      %dma_wait3A_27 = tpu.memref_slice %arg3[%add3A_10] : memref<12288xi32, #tpu.memory_space<hbm>> -> memref<128xi32, #tpu.memory_space<hbm>>
      %dma_wait3A_28 = tpu.memref_slice %arg3[%add3A_10] : memref<12288xi32, #tpu.memory_space<hbm>> -> memref<128xi32, #tpu.memory_space<hbm>>
      tpu.wait_dma2 semaphore(%run_scoped3A : memref<!tpu.dma_semaphore, #tpu.memory_space<semaphore_mem>>) src(%dma_wait3A_28 : memref<128xi32, #tpu.memory_space<hbm>>) dst(%arg5 : memref<128xi32, #tpu.memory_space<vmem>>)
      tpu.yield
    }) : () -> ()
    %dma_start3A_11 = arith.constant 0 : i32
    %dma_start3A_12 = arith.constant 0 : i32
    %dma_start3A_13 = tpu.memref_slice %arg2[%dma_start3A_11, %dma_start3A_12] : memref<8192x512xi32, #tpu.memory_space<hbm>> -> memref<8192x512xi32, #tpu.memory_space<hbm>>
    tpu.enqueue_indirect_dma source(%dma_start3A_13 : memref<8192x512xi32, #tpu.memory_space<hbm>>) target(%arg6 : memref<128x512xi32, #tpu.memory_space<vmem>>) offsets(%arg5 : memref<128xi32, #tpu.memory_space<vmem>>) semaphore(%arg7 : memref<!tpu.dma_semaphore, #tpu.memory_space<semaphore_mem>>)
    %dma_wait3A_14 = arith.constant 0 : i32
    %dma_wait3A_15 = arith.constant 0 : i32
    %dma_wait3A_16 = tpu.memref_slice %arg2[%dma_wait3A_14, %dma_wait3A_15] : memref<8192x512xi32, #tpu.memory_space<hbm>> -> memref<8192x512xi32, #tpu.memory_space<hbm>>
    tpu.wait_indirect_dma semaphore(%arg7 : memref<!tpu.dma_semaphore, #tpu.memory_space<semaphore_mem>>) src(%dma_wait3A_16 : memref<8192x512xi32, #tpu.memory_space<hbm>>) dst(%arg6 : memref<128x512xi32, #tpu.memory_space<vmem>>)
    "tpu.region"() ({
      %run_scoped3A = tpu.sem_alloc : memref<!tpu.dma_semaphore, #tpu.memory_space<semaphore_mem>>
      %dma_start3A_25 = arith.constant 0 : i32
      %dma_start3A_26 = tpu.memref_slice %arg4[%add3A_10, %dma_start3A_25] : memref<12288x512xi32, #tpu.memory_space<hbm>> -> memref<128x512xi32, #tpu.memory_space<hbm>>
      %dma_start3A_27 = arith.constant 0 : i32
      %dma_start3A_28 = tpu.memref_slice %arg4[%add3A_10, %dma_start3A_27] : memref<12288x512xi32, #tpu.memory_space<hbm>> -> memref<128x512xi32, #tpu.memory_space<hbm>>
      tpu.enqueue_dma source(%arg6 : memref<128x512xi32, #tpu.memory_space<vmem>>) target(%dma_start3A_28 : memref<128x512xi32, #tpu.memory_space<hbm>>) target_semaphore(%run_scoped3A : memref<!tpu.dma_semaphore, #tpu.memory_space<semaphore_mem>>)
      %dma_wait3A_29 = arith.constant 0 : i32
      %dma_wait3A_30 = tpu.memref_slice %arg4[%add3A_10, %dma_wait3A_29] : memref<12288x512xi32, #tpu.memory_space<hbm>> -> memref<128x512xi32, #tpu.memory_space<hbm>>
      %dma_wait3A_31 = arith.constant 0 : i32
      %dma_wait3A_32 = tpu.memref_slice %arg4[%add3A_10, %dma_wait3A_31] : memref<12288x512xi32, #tpu.memory_space<hbm>> -> memref<128x512xi32, #tpu.memory_space<hbm>>
      tpu.wait_dma2 semaphore(%run_scoped3A : memref<!tpu.dma_semaphore, #tpu.memory_space<semaphore_mem>>) src(%arg6 : memref<128x512xi32, #tpu.memory_space<vmem>>) dst(%dma_wait3A_32 : memref<128x512xi32, #tpu.memory_space<hbm>>)
      tpu.yield
    }) : () -> ()
    %add3A_17 = arith.constant 256 : i32
    %add3A_18 = arith.addi %mul3A_2, %add3A_17 : i32
    "tpu.region"() ({
      %run_scoped3A = tpu.sem_alloc : memref<!tpu.dma_semaphore, #tpu.memory_space<semaphore_mem>>
      %dma_start3A_25 = tpu.memref_slice %arg3[%add3A_18] : memref<12288xi32, #tpu.memory_space<hbm>> -> memref<128xi32, #tpu.memory_space<hbm>>
      %dma_start3A_26 = tpu.memref_slice %arg3[%add3A_18] : memref<12288xi32, #tpu.memory_space<hbm>> -> memref<128xi32, #tpu.memory_space<hbm>>
      tpu.enqueue_dma source(%dma_start3A_26 : memref<128xi32, #tpu.memory_space<hbm>>) target(%arg5 : memref<128xi32, #tpu.memory_space<vmem>>) target_semaphore(%run_scoped3A : memref<!tpu.dma_semaphore, #tpu.memory_space<semaphore_mem>>)
      %dma_wait3A_27 = tpu.memref_slice %arg3[%add3A_18] : memref<12288xi32, #tpu.memory_space<hbm>> -> memref<128xi32, #tpu.memory_space<hbm>>
      %dma_wait3A_28 = tpu.memref_slice %arg3[%add3A_18] : memref<12288xi32, #tpu.memory_space<hbm>> -> memref<128xi32, #tpu.memory_space<hbm>>
      tpu.wait_dma2 semaphore(%run_scoped3A : memref<!tpu.dma_semaphore, #tpu.memory_space<semaphore_mem>>) src(%dma_wait3A_28 : memref<128xi32, #tpu.memory_space<hbm>>) dst(%arg5 : memref<128xi32, #tpu.memory_space<vmem>>)
      tpu.yield
    }) : () -> ()
    %dma_start3A_19 = arith.constant 0 : i32
    %dma_start3A_20 = arith.constant 0 : i32
    %dma_start3A_21 = tpu.memref_slice %arg2[%dma_start3A_19, %dma_start3A_20] : memref<8192x512xi32, #tpu.memory_space<hbm>> -> memref<8192x512xi32, #tpu.memory_space<hbm>>
    tpu.enqueue_indirect_dma source(%dma_start3A_21 : memref<8192x512xi32, #tpu.memory_space<hbm>>) target(%arg6 : memref<128x512xi32, #tpu.memory_space<vmem>>) offsets(%arg5 : memref<128xi32, #tpu.memory_space<vmem>>) semaphore(%arg7 : memref<!tpu.dma_semaphore, #tpu.memory_space<semaphore_mem>>)
    %dma_wait3A_22 = arith.constant 0 : i32
    %dma_wait3A_23 = arith.constant 0 : i32
    %dma_wait3A_24 = tpu.memref_slice %arg2[%dma_wait3A_22, %dma_wait3A_23] : memref<8192x512xi32, #tpu.memory_space<hbm>> -> memref<8192x512xi32, #tpu.memory_space<hbm>>
    tpu.wait_indirect_dma semaphore(%arg7 : memref<!tpu.dma_semaphore, #tpu.memory_space<semaphore_mem>>) src(%dma_wait3A_24 : memref<8192x512xi32, #tpu.memory_space<hbm>>) dst(%arg6 : memref<128x512xi32, #tpu.memory_space<vmem>>)
    "tpu.region"() ({
      %run_scoped3A = tpu.sem_alloc : memref<!tpu.dma_semaphore, #tpu.memory_space<semaphore_mem>>
      %dma_start3A_25 = arith.constant 0 : i32
      %dma_start3A_26 = tpu.memref_slice %arg4[%add3A_18, %dma_start3A_25] : memref<12288x512xi32, #tpu.memory_space<hbm>> -> memref<128x512xi32, #tpu.memory_space<hbm>>
      %dma_start3A_27 = arith.constant 0 : i32
      %dma_start3A_28 = tpu.memref_slice %arg4[%add3A_18, %dma_start3A_27] : memref<12288x512xi32, #tpu.memory_space<hbm>> -> memref<128x512xi32, #tpu.memory_space<hbm>>
      tpu.enqueue_dma source(%arg6 : memref<128x512xi32, #tpu.memory_space<vmem>>) target(%dma_start3A_28 : memref<128x512xi32, #tpu.memory_space<hbm>>) target_semaphore(%run_scoped3A : memref<!tpu.dma_semaphore, #tpu.memory_space<semaphore_mem>>)
      %dma_wait3A_29 = arith.constant 0 : i32
      %dma_wait3A_30 = tpu.memref_slice %arg4[%add3A_18, %dma_wait3A_29] : memref<12288x512xi32, #tpu.memory_space<hbm>> -> memref<128x512xi32, #tpu.memory_space<hbm>>
      %dma_wait3A_31 = arith.constant 0 : i32
      %dma_wait3A_32 = tpu.memref_slice %arg4[%add3A_18, %dma_wait3A_31] : memref<12288x512xi32, #tpu.memory_space<hbm>> -> memref<128x512xi32, #tpu.memory_space<hbm>>
      tpu.wait_dma2 semaphore(%run_scoped3A : memref<!tpu.dma_semaphore, #tpu.memory_space<semaphore_mem>>) src(%arg6 : memref<128x512xi32, #tpu.memory_space<vmem>>) dst(%dma_wait3A_32 : memref<128x512xi32, #tpu.memory_space<hbm>>)
      tpu.yield
    }) : () -> ()
    return
  }
}

module attributes {stable_mosaic.version = 14 : i64} {
  func.func @_matmul_body(%arg0: i32, %arg1: memref<2048x1024xf32, #tpu.memory_space<vmem>>, %arg2: memref<1024x1024xbf16, #tpu.memory_space<vmem>>, %arg3: memref<2048x1024xbf16, #tpu.memory_space<vmem>>) attributes {dimension_semantics = [#tpu.dimension_semantics<arbitrary>], iteration_bounds = array<i64: 4>, scalar_prefetch = 0 : i64, scratch_operands = 0 : i64, tpu.core_type = #tpu.core_type<tc>, window_params = [{transform_indices = @transform_0, window_bounds = array<i64: 2048, 1024>}, {pipeline_mode = #tpu.pipeline_mode<synchronous>, transform_indices = @transform_1, window_bounds = array<i64: 1024, 1024>}, {transform_indices = @transform_2, window_bounds = array<i64: 2048, 1024>}]} {
    %get3A = arith.constant 0 : index
    %get3A_0 = arith.constant 0 : index
    %get3A_1 = vector.load %arg1[%get3A, %get3A_0] : memref<2048x1024xf32, #tpu.memory_space<vmem>>, vector<2048x1024xf32>
    %convert_element_type3A = arith.truncf %get3A_1 : vector<2048x1024xf32> to vector<2048x1024xbf16>
    %get3A_2 = arith.constant 0 : index
    %get3A_3 = arith.constant 0 : index
    %get3A_4 = vector.load %arg2[%get3A_2, %get3A_3] : memref<1024x1024xbf16, #tpu.memory_space<vmem>>, vector<1024x1024xbf16>
    %dot_general3A = arith.constant dense<0.000000e+00> : vector<2048x1024xf32>
    %dot_general3A_5 = tpu.matmul %convert_element_type3A, %get3A_4, %dot_general3A {dimension_numbers = #tpu.dot_dimension_numbers<[1], [1], [0], [0], [0, 0, 1, 0], [], []>, transpose_lhs_hint = false} : vector<2048x1024xbf16>, vector<1024x1024xbf16>, vector<2048x1024xf32> -> vector<2048x1024xf32>
    %convert_element_type3A_6 = arith.truncf %dot_general3A_5 : vector<2048x1024xf32> to vector<2048x1024xbf16>
    %swap3A = arith.constant 0 : index
    %swap3A_7 = arith.constant 0 : index
    %swap3A_8 = vector.load %arg3[%swap3A, %swap3A_7] : memref<2048x1024xbf16, #tpu.memory_space<vmem>>, vector<2048x1024xbf16>
    tpu.vector_store %arg3[%swap3A, %swap3A_7], %convert_element_type3A_6 {strides = array<i32>} : memref<2048x1024xbf16, #tpu.memory_space<vmem>>, vector<2048x1024xbf16>,
    return
  }
  func.func @transform_0(%arg0: i32) -> (i32, i32) {
    %c0_i32 = arith.constant 0 : i32
    %c0_i32_0 = arith.constant 0 : i32
    return %arg0, %c0_i32 : i32, i32
  }
  func.func @transform_1(%arg0: i32) -> (i32, i32) {
    %c0_i32 = arith.constant 0 : i32
    %c0_i32_0 = arith.constant 0 : i32
    %c0_i32_1 = arith.constant 0 : i32
    return %c0_i32, %c0_i32_0 : i32, i32
  }
  func.func @transform_2(%arg0: i32) -> (i32, i32) {
    %c0_i32 = arith.constant 0 : i32
    %c0_i32_0 = arith.constant 0 : i32
    return %arg0, %c0_i32 : i32, i32
  }
}

module attributes {stable_mosaic.version = 14 : i64} {
  func.func @_lse_body(%arg0: i32, %arg1: memref<8192x1024xbf16, #tpu.memory_space<vmem>>, %arg2: memref<512x1024xbf16, #tpu.memory_space<vmem>>, %arg3: memref<8192xi32, #tpu.memory_space<vmem>>, %arg4: memref<8192xf32, #tpu.memory_space<vmem>>, %arg5: memref<8192xf32, #tpu.memory_space<vmem>>, %arg6: memref<8192xf32, #tpu.memory_space<vmem>>) attributes {dimension_semantics = [#tpu.dimension_semantics<arbitrary>], iteration_bounds = array<i64: 4>, scalar_prefetch = 0 : i64, scratch_operands = 2 : i64, tpu.core_type = #tpu.core_type<tc>, window_params = [{pipeline_mode = #tpu.pipeline_mode<synchronous>, transform_indices = @transform_0, window_bounds = array<i64: 8192, 1024>}, {transform_indices = @transform_1, window_bounds = array<i64: 512, 1024>}, {pipeline_mode = #tpu.pipeline_mode<synchronous>, transform_indices = @transform_2, window_bounds = array<i64: 8192>}, {pipeline_mode = #tpu.pipeline_mode<synchronous>, transform_indices = @transform_3, window_bounds = array<i64: 8192>}]} {
    %eq3A = arith.constant 0 : i32
    %eq3A_0 = arith.cmpi eq, %arg0, %eq3A : i32
    %convert_element_type3A = arith.extui %eq3A_0 : i1 to i32
    %cond3A = arith.constant 0 : i32
    %cond3A_1 = arith.cmpi ne, %convert_element_type3A, %cond3A : i32
    scf.if %cond3A_1 {
      %broadcast_in_dim3A_32 = arith.constant 0.000000e+00 : f32
      %broadcast_in_dim3A_33 = vector.broadcast %broadcast_in_dim3A_32 : f32 to vector<8192xf32>
      %swap3A_34 = arith.constant 0 : index
      %swap3A_35 = vector.load %arg5[%swap3A_34] : memref<8192xf32, #tpu.memory_space<vmem>>, vector<8192xf32>
      tpu.vector_store %arg5[%swap3A_34], %broadcast_in_dim3A_33 {strides = array<i32>} : memref<8192xf32, #tpu.memory_space<vmem>>, vector<8192xf32>,
      %broadcast_in_dim3A_36 = arith.constant 0.000000e+00 : f32
      %broadcast_in_dim3A_37 = vector.broadcast %broadcast_in_dim3A_36 : f32 to vector<8192xf32>
      %swap3A_38 = arith.constant 0 : index
      %swap3A_39 = vector.load %arg6[%swap3A_38] : memref<8192xf32, #tpu.memory_space<vmem>>, vector<8192xf32>
      tpu.vector_store %arg6[%swap3A_38], %broadcast_in_dim3A_37 {strides = array<i32>} : memref<8192xf32, #tpu.memory_space<vmem>>, vector<8192xf32>,
    } else {
    }
    %get3A = arith.constant 0 : index
    %get3A_2 = arith.constant 0 : index
    %get3A_3 = vector.load %arg1[%get3A, %get3A_2] : memref<8192x1024xbf16, #tpu.memory_space<vmem>>, vector<8192x1024xbf16>
    %get3A_4 = arith.constant 0 : index
    %get3A_5 = arith.constant 0 : index
    %get3A_6 = vector.load %arg2[%get3A_4, %get3A_5] : memref<512x1024xbf16, #tpu.memory_space<vmem>>, vector<512x1024xbf16>
    %dot_general3A = arith.constant dense<0.000000e+00> : vector<8192x512xf32>
    %dot_general3A_7 = tpu.matmul %get3A_3, %get3A_6, %dot_general3A {dimension_numbers = #tpu.dot_dimension_numbers<[1], [1], [0], [0], [0, 0, 1, 0], [], []>, transpose_lhs_hint = false} : vector<8192x1024xbf16>, vector<512x1024xbf16>, vector<8192x512xf32> -> vector<8192x512xf32>
    %mul3A = arith.constant 512 : i32
    %mul3A_8 = arith.muli %arg0, %mul3A : i32
    %iota3A = tpu.iota {dimensions = array<i32: 1>} : vector<8192x512xi32>
    %add3A = vector.broadcast %mul3A_8 : i32 to vector<8192x512xi32>
    %add3A_9 = arith.addi %add3A, %iota3A : vector<8192x512xi32>
    %get3A_10 = arith.constant 0 : index
    %get3A_11 = vector.load %arg3[%get3A_10] : memref<8192xi32, #tpu.memory_space<vmem>>, vector<8192xi32>
    %get3A_12 = arith.constant 0 : index
    %get3A_13 = vector.load %arg6[%get3A_12] : memref<8192xf32, #tpu.memory_space<vmem>>, vector<8192xf32>
    %broadcast_in_dim3A = vector.shape_cast %get3A_11 : vector<8192xi32> to vector<8192x1xi32>
    %eq3A_14 = vector.broadcast %broadcast_in_dim3A : vector<8192x1xi32> to vector<8192x512xi32>
    %eq3A_15 = arith.cmpi eq, %add3A_9, %eq3A_14 : vector<8192x512xi32>
    %jit3A = arith.constant 0.000000e+00 : f32
    %broadcast_in_dim3A_16 = vector.broadcast %jit3A : f32 to vector<8192x512xf32>
    %select_n3A = arith.select %eq3A_15, %dot_general3A_7, %broadcast_in_dim3A_16 : vector<8192x512xi1>, vector<8192x512xf32>
    %reduce_sum3A = arith.constant dense<0.000000e+00> : vector<8192xf32>
    %reduce_sum3A_17 = vector.multi_reduction <add>, %select_n3A, %reduce_sum3A [1] : vector<8192x512xf32> to vector<8192xf32>
    %add3A_18 = arith.addf %get3A_13, %reduce_sum3A_17 : vector<8192xf32>
    %swap3A = arith.constant 0 : index
    %swap3A_19 = vector.load %arg6[%swap3A] : memref<8192xf32, #tpu.memory_space<vmem>>, vector<8192xf32>
    tpu.vector_store %arg6[%swap3A], %add3A_18 {strides = array<i32>} : memref<8192xf32, #tpu.memory_space<vmem>>, vector<8192xf32>,
    %get3A_20 = arith.constant 0 : index
    %get3A_21 = vector.load %arg5[%get3A_20] : memref<8192xf32, #tpu.memory_space<vmem>>, vector<8192xf32>
    %exp3A = math.exp %dot_general3A_7 : vector<8192x512xf32>
    %reduce_sum3A_22 = arith.constant dense<0.000000e+00> : vector<8192xf32>
    %reduce_sum3A_23 = vector.multi_reduction <add>, %exp3A, %reduce_sum3A_22 [1] : vector<8192x512xf32> to vector<8192xf32>
    %add3A_24 = arith.addf %get3A_21, %reduce_sum3A_23 : vector<8192xf32>
    %swap3A_25 = arith.constant 0 : index
    %swap3A_26 = vector.load %arg5[%swap3A_25] : memref<8192xf32, #tpu.memory_space<vmem>>, vector<8192xf32>
    tpu.vector_store %arg5[%swap3A_25], %add3A_24 {strides = array<i32>} : memref<8192xf32, #tpu.memory_space<vmem>>, vector<8192xf32>,
    %eq3A_27 = arith.constant 3 : i32
    %eq3A_28 = arith.cmpi eq, %arg0, %eq3A_27 : i32
    %convert_element_type3A_29 = arith.extui %eq3A_28 : i1 to i32
    %cond3A_30 = arith.constant 0 : i32
    %cond3A_31 = arith.cmpi ne, %convert_element_type3A_29, %cond3A_30 : i32
    scf.if %cond3A_31 {
      %get3A_32 = arith.constant 0 : index
      %get3A_33 = vector.load %arg6[%get3A_32] : memref<8192xf32, #tpu.memory_space<vmem>>, vector<8192xf32>
      %get3A_34 = arith.constant 0 : index
      %get3A_35 = vector.load %arg5[%get3A_34] : memref<8192xf32, #tpu.memory_space<vmem>>, vector<8192xf32>
      %sub3A = arith.constant 4.500000e+01 : f32
      %sub3A_36 = vector.broadcast %sub3A : f32 to vector<8192xf32>
      %sub3A_37 = arith.subf %get3A_35, %sub3A_36 : vector<8192xf32>
      %log3A = math.log %sub3A_37 : vector<8192xf32>
      %sub3A_38 = arith.subf %get3A_33, %log3A : vector<8192xf32>
      %swap3A_39 = arith.constant 0 : index
      %swap3A_40 = vector.load %arg4[%swap3A_39] : memref<8192xf32, #tpu.memory_space<vmem>>, vector<8192xf32>
      tpu.vector_store %arg4[%swap3A_39], %sub3A_38 {strides = array<i32>} : memref<8192xf32, #tpu.memory_space<vmem>>, vector<8192xf32>,
    } else {
    }
    return
  }
  func.func @transform_0(%arg0: i32) -> (i32, i32) {
    %c0_i32 = arith.constant 0 : i32
    %c0_i32_0 = arith.constant 0 : i32
    %c0_i32_1 = arith.constant 0 : i32
    return %c0_i32, %c0_i32_0 : i32, i32
  }
  func.func @transform_1(%arg0: i32) -> (i32, i32) {
    %c0_i32 = arith.constant 0 : i32
    %c0_i32_0 = arith.constant 0 : i32
    return %arg0, %c0_i32 : i32, i32
  }
  func.func @transform_2(%arg0: i32) -> i32 {
    %c0_i32 = arith.constant 0 : i32
    %c0_i32_0 = arith.constant 0 : i32
    return %c0_i32 : i32
  }
  func.func @transform_3(%arg0: i32) -> i32 {
    %c0_i32 = arith.constant 0 : i32
    %c0_i32_0 = arith.constant 0 : i32
    return %c0_i32 : i32
  }
}

module attributes {stable_mosaic.version = 14 : i64} {
  func.func @_routed_body(%arg0: i32, %arg1: i32, %arg2: memref<2xi32, #tpu.memory_space<smem>>, %arg3: memref<1024x128xbf16, #tpu.memory_space<vmem>>, %arg4: memref<4096x128xbf16, #tpu.memory_space<vmem>>, %arg5: memref<1024xi32, #tpu.memory_space<vmem>>, %arg6: memref<1024xf32, #tpu.memory_space<vmem>>, %arg7: memref<8x1024xf32, #tpu.memory_space<vmem>>, %arg8: memref<8x1024xf32, #tpu.memory_space<vmem>>) attributes {dimension_semantics = [#tpu.dimension_semantics<arbitrary>, #tpu.dimension_semantics<arbitrary>], iteration_bounds = array<i64: 13, 8>, scalar_prefetch = 1 : i64, scratch_operands = 2 : i64, tpu.core_type = #tpu.core_type<tc>, window_params = [{transform_indices = @transform_0, window_bounds = array<i64: 1024, 128>}, {transform_indices = @transform_1, window_bounds = array<i64: 4096, 128>}, {transform_indices = @transform_2, window_bounds = array<i64: 1024>}, {transform_indices = @transform_3, window_bounds = array<i64: 1024>}]} {
    %get3A = arith.constant 0 : index
    %get3A_0 = memref.load %arg2[%get3A] : memref<2xi32, #tpu.memory_space<smem>>
    %lt3A = arith.cmpi slt, %arg1, %get3A_0 : i32
    %convert_element_type3A = arith.extui %lt3A : i1 to i32
    %cond3A = arith.constant 0 : i32
    %cond3A_1 = arith.cmpi ne, %convert_element_type3A, %cond3A : i32
    scf.if %cond3A_1 {
      %eq3A = arith.constant 0 : i32
      %eq3A_2 = arith.cmpi eq, %arg0, %eq3A : i32
      %convert_element_type3A_3 = arith.extui %eq3A_2 : i1 to i32
      %cond3A_4 = arith.constant 0 : i32
      %cond3A_5 = arith.cmpi ne, %convert_element_type3A_3, %cond3A_4 : i32
      scf.if %cond3A_5 {
        %broadcast_in_dim3A_47 = arith.constant 0.000000e+00 : f32
        %broadcast_in_dim3A_48 = vector.broadcast %broadcast_in_dim3A_47 : f32 to vector<1024xf32>
        %swap3A_49 = arith.index_cast %arg1 : i32 to index
        %swap3A_50 = arith.constant 0 : index
        %swap3A_51 = vector.load %arg7[%swap3A_49, %swap3A_50] : memref<8x1024xf32, #tpu.memory_space<vmem>>, vector<1x1024xf32>
        %swap3A_52 = vector.shape_cast %swap3A_51 : vector<1x1024xf32> to vector<1024xf32>
        %swap3A_53 = vector.shape_cast %broadcast_in_dim3A_48 : vector<1024xf32> to vector<1x1024xf32>
        tpu.vector_store %arg7[%swap3A_49, %swap3A_50], %swap3A_53 {strides = array<i32>} : memref<8x1024xf32, #tpu.memory_space<vmem>>, vector<1x1024xf32>,
        %broadcast_in_dim3A_54 = arith.constant 0.000000e+00 : f32
        %broadcast_in_dim3A_55 = vector.broadcast %broadcast_in_dim3A_54 : f32 to vector<1024xf32>
        %swap3A_56 = arith.index_cast %arg1 : i32 to index
        %swap3A_57 = arith.constant 0 : index
        %swap3A_58 = vector.load %arg8[%swap3A_56, %swap3A_57] : memref<8x1024xf32, #tpu.memory_space<vmem>>, vector<1x1024xf32>
        %swap3A_59 = vector.shape_cast %swap3A_58 : vector<1x1024xf32> to vector<1024xf32>
        %swap3A_60 = vector.shape_cast %broadcast_in_dim3A_55 : vector<1024xf32> to vector<1x1024xf32>
        tpu.vector_store %arg8[%swap3A_56, %swap3A_57], %swap3A_60 {strides = array<i32>} : memref<8x1024xf32, #tpu.memory_space<vmem>>, vector<1x1024xf32>,
      } else {
      }
      %get3A_6 = arith.constant 0 : index
      %get3A_7 = arith.constant 0 : index
      %get3A_8 = vector.load %arg3[%get3A_6, %get3A_7] : memref<1024x128xbf16, #tpu.memory_space<vmem>>, vector<1024x128xbf16>
      %get3A_9 = arith.constant 0 : index
      %get3A_10 = arith.constant 0 : index
      %get3A_11 = vector.load %arg4[%get3A_9, %get3A_10] : memref<4096x128xbf16, #tpu.memory_space<vmem>>, vector<4096x128xbf16>
      %dot_general3A = arith.constant dense<0.000000e+00> : vector<1024x4096xf32>
      %dot_general3A_12 = tpu.matmul %get3A_8, %get3A_11, %dot_general3A {dimension_numbers = #tpu.dot_dimension_numbers<[1], [1], [0], [0], [0, 0, 1, 0], [], []>, transpose_lhs_hint = false} : vector<1024x128xbf16>, vector<4096x128xbf16>, vector<1024x4096xf32> -> vector<1024x4096xf32>
      %mul3A = arith.constant 4096 : i32
      %mul3A_13 = arith.muli %arg0, %mul3A : i32
      %iota3A = tpu.iota {dimensions = array<i32: 1>} : vector<1024x4096xi32>
      %add3A = vector.broadcast %mul3A_13 : i32 to vector<1024x4096xi32>
      %add3A_14 = arith.addi %add3A, %iota3A : vector<1024x4096xi32>
      %get3A_15 = arith.constant 0 : index
      %get3A_16 = vector.load %arg5[%get3A_15] : memref<1024xi32, #tpu.memory_space<vmem>>, vector<1024xi32>
      %get3A_17 = arith.index_cast %arg1 : i32 to index
      %get3A_18 = arith.constant 0 : index
      %get3A_19 = vector.load %arg8[%get3A_17, %get3A_18] : memref<8x1024xf32, #tpu.memory_space<vmem>>, vector<1x1024xf32>
      %get3A_20 = vector.shape_cast %get3A_19 : vector<1x1024xf32> to vector<1024xf32>
      %broadcast_in_dim3A = vector.shape_cast %get3A_16 : vector<1024xi32> to vector<1024x1xi32>
      %eq3A_21 = vector.broadcast %broadcast_in_dim3A : vector<1024x1xi32> to vector<1024x4096xi32>
      %eq3A_22 = arith.cmpi eq, %add3A_14, %eq3A_21 : vector<1024x4096xi32>
      %jit3A = arith.constant 0.000000e+00 : f32
      %broadcast_in_dim3A_23 = vector.broadcast %jit3A : f32 to vector<1024x4096xf32>
      %select_n3A = arith.select %eq3A_22, %dot_general3A_12, %broadcast_in_dim3A_23 : vector<1024x4096xi1>, vector<1024x4096xf32>
      %reduce_sum3A = arith.constant dense<0.000000e+00> : vector<1024xf32>
      %reduce_sum3A_24 = vector.multi_reduction <add>, %select_n3A, %reduce_sum3A [1] : vector<1024x4096xf32> to vector<1024xf32>
      %add3A_25 = arith.addf %get3A_20, %reduce_sum3A_24 : vector<1024xf32>
      %swap3A = arith.index_cast %arg1 : i32 to index
      %swap3A_26 = arith.constant 0 : index
      %swap3A_27 = vector.load %arg8[%swap3A, %swap3A_26] : memref<8x1024xf32, #tpu.memory_space<vmem>>, vector<1x1024xf32>
      %swap3A_28 = vector.shape_cast %swap3A_27 : vector<1x1024xf32> to vector<1024xf32>
      %swap3A_29 = vector.shape_cast %add3A_25 : vector<1024xf32> to vector<1x1024xf32>
      tpu.vector_store %arg8[%swap3A, %swap3A_26], %swap3A_29 {strides = array<i32>} : memref<8x1024xf32, #tpu.memory_space<vmem>>, vector<1x1024xf32>,
      %get3A_30 = arith.index_cast %arg1 : i32 to index
      %get3A_31 = arith.constant 0 : index
      %get3A_32 = vector.load %arg7[%get3A_30, %get3A_31] : memref<8x1024xf32, #tpu.memory_space<vmem>>, vector<1x1024xf32>
      %get3A_33 = vector.shape_cast %get3A_32 : vector<1x1024xf32> to vector<1024xf32>
      %exp3A = math.exp %dot_general3A_12 : vector<1024x4096xf32>
      %reduce_sum3A_34 = arith.constant dense<0.000000e+00> : vector<1024xf32>
      %reduce_sum3A_35 = vector.multi_reduction <add>, %exp3A, %reduce_sum3A_34 [1] : vector<1024x4096xf32> to vector<1024xf32>
      %add3A_36 = arith.addf %get3A_33, %reduce_sum3A_35 : vector<1024xf32>
      %swap3A_37 = arith.index_cast %arg1 : i32 to index
      %swap3A_38 = arith.constant 0 : index
      %swap3A_39 = vector.load %arg7[%swap3A_37, %swap3A_38] : memref<8x1024xf32, #tpu.memory_space<vmem>>, vector<1x1024xf32>
      %swap3A_40 = vector.shape_cast %swap3A_39 : vector<1x1024xf32> to vector<1024xf32>
      %swap3A_41 = vector.shape_cast %add3A_36 : vector<1024xf32> to vector<1x1024xf32>
      tpu.vector_store %arg7[%swap3A_37, %swap3A_38], %swap3A_41 {strides = array<i32>} : memref<8x1024xf32, #tpu.memory_space<vmem>>, vector<1x1024xf32>,
      %eq3A_42 = arith.constant 12 : i32
      %eq3A_43 = arith.cmpi eq, %arg0, %eq3A_42 : i32
      %convert_element_type3A_44 = arith.extui %eq3A_43 : i1 to i32
      %cond3A_45 = arith.constant 0 : i32
      %cond3A_46 = arith.cmpi ne, %convert_element_type3A_44, %cond3A_45 : i32
      scf.if %cond3A_46 {
        %get3A_47 = arith.index_cast %arg1 : i32 to index
        %get3A_48 = arith.constant 0 : index
        %get3A_49 = vector.load %arg8[%get3A_47, %get3A_48] : memref<8x1024xf32, #tpu.memory_space<vmem>>, vector<1x1024xf32>
        %get3A_50 = vector.shape_cast %get3A_49 : vector<1x1024xf32> to vector<1024xf32>
        %get3A_51 = arith.index_cast %arg1 : i32 to index
        %get3A_52 = arith.constant 0 : index
        %get3A_53 = vector.load %arg7[%get3A_51, %get3A_52] : memref<8x1024xf32, #tpu.memory_space<vmem>>, vector<1x1024xf32>
        %get3A_54 = vector.shape_cast %get3A_53 : vector<1x1024xf32> to vector<1024xf32>
        %sub3A = arith.constant 3.248000e+03 : f32
        %sub3A_55 = vector.broadcast %sub3A : f32 to vector<1024xf32>
        %sub3A_56 = arith.subf %get3A_54, %sub3A_55 : vector<1024xf32>
        %log3A = math.log %sub3A_56 : vector<1024xf32>
        %sub3A_57 = arith.subf %get3A_50, %log3A : vector<1024xf32>
        %swap3A_58 = arith.constant 0 : index
        %swap3A_59 = vector.load %arg6[%swap3A_58] : memref<1024xf32, #tpu.memory_space<vmem>>, vector<1024xf32>
        tpu.vector_store %arg6[%swap3A_58], %sub3A_57 {strides = array<i32>} : memref<1024xf32, #tpu.memory_space<vmem>>, vector<1024xf32>,
      } else {
      }
    } else {
    }
    return
  }
  func.func @transform_0(%arg0: i32, %arg1: i32, %arg2: memref<2xi32, #tpu.memory_space<smem>>) -> (i32, i32) {
    %get3A = arith.constant 0 : index
    %get3A_0 = memref.load %arg2[%get3A] : memref<2xi32, #tpu.memory_space<smem>>
    %sub3A = arith.constant 1 : i32
    %sub3A_1 = arith.subi %get3A_0, %sub3A : i32
    %max3A = arith.constant 0 : i32
    %max3A_2 = arith.maxsi %sub3A_1, %max3A : i32
    %jit3A = arith.constant 0 : i32
    %max3A_3 = arith.maxsi %jit3A, %arg1 : i32
    %min3A = arith.minsi %max3A_2, %max3A_3 : i32
    %get3A_4 = arith.constant 1 : index
    %get3A_5 = memref.load %arg2[%get3A_4] : memref<2xi32, #tpu.memory_space<smem>>
    %add3A = arith.addi %min3A, %get3A_5 : i32
    %c6_i32 = arith.constant 6 : i32
    %c0_i32 = arith.constant 0 : i32
    return %add3A, %c6_i32 : i32, i32
  }
  func.func @transform_1(%arg0: i32, %arg1: i32, %arg2: memref<2xi32, #tpu.memory_space<smem>>) -> (i32, i32) {
    %c0_i32 = arith.constant 0 : i32
    %c0_i32_0 = arith.constant 0 : i32
    return %arg0, %c0_i32 : i32, i32
  }
  func.func @transform_2(%arg0: i32, %arg1: i32, %arg2: memref<2xi32, #tpu.memory_space<smem>>) -> i32 {
    %get3A = arith.constant 0 : index
    %get3A_0 = memref.load %arg2[%get3A] : memref<2xi32, #tpu.memory_space<smem>>
    %sub3A = arith.constant 1 : i32
    %sub3A_1 = arith.subi %get3A_0, %sub3A : i32
    %max3A = arith.constant 0 : i32
    %max3A_2 = arith.maxsi %sub3A_1, %max3A : i32
    %jit3A = arith.constant 0 : i32
    %max3A_3 = arith.maxsi %jit3A, %arg1 : i32
    %min3A = arith.minsi %max3A_2, %max3A_3 : i32
    %get3A_4 = arith.constant 1 : index
    %get3A_5 = memref.load %arg2[%get3A_4] : memref<2xi32, #tpu.memory_space<smem>>
    %add3A = arith.addi %min3A, %get3A_5 : i32
    %c0_i32 = arith.constant 0 : i32
    return %add3A : i32
  }
  func.func @transform_3(%arg0: i32, %arg1: i32, %arg2: memref<2xi32, #tpu.memory_space<smem>>) -> i32 {
    %get3A = arith.constant 0 : index
    %get3A_0 = memref.load %arg2[%get3A] : memref<2xi32, #tpu.memory_space<smem>>
    %sub3A = arith.constant 1 : i32
    %sub3A_1 = arith.subi %get3A_0, %sub3A : i32
    %max3A = arith.constant 0 : i32
    %max3A_2 = arith.maxsi %sub3A_1, %max3A : i32
    %jit3A = arith.constant 0 : i32
    %max3A_3 = arith.maxsi %jit3A, %arg1 : i32
    %min3A = arith.minsi %max3A_2, %max3A_3 : i32
    %get3A_4 = arith.constant 1 : index
    %get3A_5 = memref.load %arg2[%get3A_4] : memref<2xi32, #tpu.memory_space<smem>>
    %add3A = arith.addi %min3A, %get3A_5 : i32
    %c0_i32 = arith.constant 0 : i32
    return %add3A : i32
  }
}

module attributes {stable_mosaic.version = 14 : i64} {
  func.func @_routed_body(%arg0: i32, %arg1: i32, %arg2: memref<2xi32, #tpu.memory_space<smem>>, %arg3: memref<1024x256xbf16, #tpu.memory_space<vmem>>, %arg4: memref<4096x256xbf16, #tpu.memory_space<vmem>>, %arg5: memref<1024xi32, #tpu.memory_space<vmem>>, %arg6: memref<1024xf32, #tpu.memory_space<vmem>>, %arg7: memref<8x1024xf32, #tpu.memory_space<vmem>>, %arg8: memref<8x1024xf32, #tpu.memory_space<vmem>>) attributes {dimension_semantics = [#tpu.dimension_semantics<arbitrary>, #tpu.dimension_semantics<arbitrary>], iteration_bounds = array<i64: 10, 8>, scalar_prefetch = 1 : i64, scratch_operands = 2 : i64, tpu.core_type = #tpu.core_type<tc>, window_params = [{transform_indices = @transform_0, window_bounds = array<i64: 1024, 256>}, {transform_indices = @transform_1, window_bounds = array<i64: 4096, 256>}, {transform_indices = @transform_2, window_bounds = array<i64: 1024>}, {transform_indices = @transform_3, window_bounds = array<i64: 1024>}]} {
    %get3A = arith.constant 0 : index
    %get3A_0 = memref.load %arg2[%get3A] : memref<2xi32, #tpu.memory_space<smem>>
    %lt3A = arith.cmpi slt, %arg1, %get3A_0 : i32
    %convert_element_type3A = arith.extui %lt3A : i1 to i32
    %cond3A = arith.constant 0 : i32
    %cond3A_1 = arith.cmpi ne, %convert_element_type3A, %cond3A : i32
    scf.if %cond3A_1 {
      %eq3A = arith.constant 0 : i32
      %eq3A_2 = arith.cmpi eq, %arg0, %eq3A : i32
      %convert_element_type3A_3 = arith.extui %eq3A_2 : i1 to i32
      %cond3A_4 = arith.constant 0 : i32
      %cond3A_5 = arith.cmpi ne, %convert_element_type3A_3, %cond3A_4 : i32
      scf.if %cond3A_5 {
        %broadcast_in_dim3A_47 = arith.constant 0.000000e+00 : f32
        %broadcast_in_dim3A_48 = vector.broadcast %broadcast_in_dim3A_47 : f32 to vector<1024xf32>
        %swap3A_49 = arith.index_cast %arg1 : i32 to index
        %swap3A_50 = arith.constant 0 : index
        %swap3A_51 = vector.load %arg7[%swap3A_49, %swap3A_50] : memref<8x1024xf32, #tpu.memory_space<vmem>>, vector<1x1024xf32>
        %swap3A_52 = vector.shape_cast %swap3A_51 : vector<1x1024xf32> to vector<1024xf32>
        %swap3A_53 = vector.shape_cast %broadcast_in_dim3A_48 : vector<1024xf32> to vector<1x1024xf32>
        tpu.vector_store %arg7[%swap3A_49, %swap3A_50], %swap3A_53 {strides = array<i32>} : memref<8x1024xf32, #tpu.memory_space<vmem>>, vector<1x1024xf32>,
        %broadcast_in_dim3A_54 = arith.constant 0.000000e+00 : f32
        %broadcast_in_dim3A_55 = vector.broadcast %broadcast_in_dim3A_54 : f32 to vector<1024xf32>
        %swap3A_56 = arith.index_cast %arg1 : i32 to index
        %swap3A_57 = arith.constant 0 : index
        %swap3A_58 = vector.load %arg8[%swap3A_56, %swap3A_57] : memref<8x1024xf32, #tpu.memory_space<vmem>>, vector<1x1024xf32>
        %swap3A_59 = vector.shape_cast %swap3A_58 : vector<1x1024xf32> to vector<1024xf32>
        %swap3A_60 = vector.shape_cast %broadcast_in_dim3A_55 : vector<1024xf32> to vector<1x1024xf32>
        tpu.vector_store %arg8[%swap3A_56, %swap3A_57], %swap3A_60 {strides = array<i32>} : memref<8x1024xf32, #tpu.memory_space<vmem>>, vector<1x1024xf32>,
      } else {
      }
      %get3A_6 = arith.constant 0 : index
      %get3A_7 = arith.constant 0 : index
      %get3A_8 = vector.load %arg3[%get3A_6, %get3A_7] : memref<1024x256xbf16, #tpu.memory_space<vmem>>, vector<1024x256xbf16>
      %get3A_9 = arith.constant 0 : index
      %get3A_10 = arith.constant 0 : index
      %get3A_11 = vector.load %arg4[%get3A_9, %get3A_10] : memref<4096x256xbf16, #tpu.memory_space<vmem>>, vector<4096x256xbf16>
      %dot_general3A = arith.constant dense<0.000000e+00> : vector<1024x4096xf32>
      %dot_general3A_12 = tpu.matmul %get3A_8, %get3A_11, %dot_general3A {dimension_numbers = #tpu.dot_dimension_numbers<[1], [1], [0], [0], [0, 0, 1, 0], [], []>, transpose_lhs_hint = false} : vector<1024x256xbf16>, vector<4096x256xbf16>, vector<1024x4096xf32> -> vector<1024x4096xf32>
      %mul3A = arith.constant 4096 : i32
      %mul3A_13 = arith.muli %arg0, %mul3A : i32
      %iota3A = tpu.iota {dimensions = array<i32: 1>} : vector<1024x4096xi32>
      %add3A = vector.broadcast %mul3A_13 : i32 to vector<1024x4096xi32>
      %add3A_14 = arith.addi %add3A, %iota3A : vector<1024x4096xi32>
      %get3A_15 = arith.constant 0 : index
      %get3A_16 = vector.load %arg5[%get3A_15] : memref<1024xi32, #tpu.memory_space<vmem>>, vector<1024xi32>
      %get3A_17 = arith.index_cast %arg1 : i32 to index
      %get3A_18 = arith.constant 0 : index
      %get3A_19 = vector.load %arg8[%get3A_17, %get3A_18] : memref<8x1024xf32, #tpu.memory_space<vmem>>, vector<1x1024xf32>
      %get3A_20 = vector.shape_cast %get3A_19 : vector<1x1024xf32> to vector<1024xf32>
      %broadcast_in_dim3A = vector.shape_cast %get3A_16 : vector<1024xi32> to vector<1024x1xi32>
      %eq3A_21 = vector.broadcast %broadcast_in_dim3A : vector<1024x1xi32> to vector<1024x4096xi32>
      %eq3A_22 = arith.cmpi eq, %add3A_14, %eq3A_21 : vector<1024x4096xi32>
      %jit3A = arith.constant 0.000000e+00 : f32
      %broadcast_in_dim3A_23 = vector.broadcast %jit3A : f32 to vector<1024x4096xf32>
      %select_n3A = arith.select %eq3A_22, %dot_general3A_12, %broadcast_in_dim3A_23 : vector<1024x4096xi1>, vector<1024x4096xf32>
      %reduce_sum3A = arith.constant dense<0.000000e+00> : vector<1024xf32>
      %reduce_sum3A_24 = vector.multi_reduction <add>, %select_n3A, %reduce_sum3A [1] : vector<1024x4096xf32> to vector<1024xf32>
      %add3A_25 = arith.addf %get3A_20, %reduce_sum3A_24 : vector<1024xf32>
      %swap3A = arith.index_cast %arg1 : i32 to index
      %swap3A_26 = arith.constant 0 : index
      %swap3A_27 = vector.load %arg8[%swap3A, %swap3A_26] : memref<8x1024xf32, #tpu.memory_space<vmem>>, vector<1x1024xf32>
      %swap3A_28 = vector.shape_cast %swap3A_27 : vector<1x1024xf32> to vector<1024xf32>
      %swap3A_29 = vector.shape_cast %add3A_25 : vector<1024xf32> to vector<1x1024xf32>
      tpu.vector_store %arg8[%swap3A, %swap3A_26], %swap3A_29 {strides = array<i32>} : memref<8x1024xf32, #tpu.memory_space<vmem>>, vector<1x1024xf32>,
      %get3A_30 = arith.index_cast %arg1 : i32 to index
      %get3A_31 = arith.constant 0 : index
      %get3A_32 = vector.load %arg7[%get3A_30, %get3A_31] : memref<8x1024xf32, #tpu.memory_space<vmem>>, vector<1x1024xf32>
      %get3A_33 = vector.shape_cast %get3A_32 : vector<1x1024xf32> to vector<1024xf32>
      %exp3A = math.exp %dot_general3A_12 : vector<1024x4096xf32>
      %reduce_sum3A_34 = arith.constant dense<0.000000e+00> : vector<1024xf32>
      %reduce_sum3A_35 = vector.multi_reduction <add>, %exp3A, %reduce_sum3A_34 [1] : vector<1024x4096xf32> to vector<1024xf32>
      %add3A_36 = arith.addf %get3A_33, %reduce_sum3A_35 : vector<1024xf32>
      %swap3A_37 = arith.index_cast %arg1 : i32 to index
      %swap3A_38 = arith.constant 0 : index
      %swap3A_39 = vector.load %arg7[%swap3A_37, %swap3A_38] : memref<8x1024xf32, #tpu.memory_space<vmem>>, vector<1x1024xf32>
      %swap3A_40 = vector.shape_cast %swap3A_39 : vector<1x1024xf32> to vector<1024xf32>
      %swap3A_41 = vector.shape_cast %add3A_36 : vector<1024xf32> to vector<1x1024xf32>
      tpu.vector_store %arg7[%swap3A_37, %swap3A_38], %swap3A_41 {strides = array<i32>} : memref<8x1024xf32, #tpu.memory_space<vmem>>, vector<1x1024xf32>,
      %eq3A_42 = arith.constant 9 : i32
      %eq3A_43 = arith.cmpi eq, %arg0, %eq3A_42 : i32
      %convert_element_type3A_44 = arith.extui %eq3A_43 : i1 to i32
      %cond3A_45 = arith.constant 0 : i32
      %cond3A_46 = arith.cmpi ne, %convert_element_type3A_44, %cond3A_45 : i32
      scf.if %cond3A_46 {
        %get3A_47 = arith.index_cast %arg1 : i32 to index
        %get3A_48 = arith.constant 0 : index
        %get3A_49 = vector.load %arg8[%get3A_47, %get3A_48] : memref<8x1024xf32, #tpu.memory_space<vmem>>, vector<1x1024xf32>
        %get3A_50 = vector.shape_cast %get3A_49 : vector<1x1024xf32> to vector<1024xf32>
        %get3A_51 = arith.index_cast %arg1 : i32 to index
        %get3A_52 = arith.constant 0 : index
        %get3A_53 = vector.load %arg7[%get3A_51, %get3A_52] : memref<8x1024xf32, #tpu.memory_space<vmem>>, vector<1x1024xf32>
        %get3A_54 = vector.shape_cast %get3A_53 : vector<1x1024xf32> to vector<1024xf32>
        %sub3A = arith.constant 9.600000e+02 : f32
        %sub3A_55 = vector.broadcast %sub3A : f32 to vector<1024xf32>
        %sub3A_56 = arith.subf %get3A_54, %sub3A_55 : vector<1024xf32>
        %log3A = math.log %sub3A_56 : vector<1024xf32>
        %sub3A_57 = arith.subf %get3A_50, %log3A : vector<1024xf32>
        %swap3A_58 = arith.constant 0 : index
        %swap3A_59 = vector.load %arg6[%swap3A_58] : memref<1024xf32, #tpu.memory_space<vmem>>, vector<1024xf32>
        tpu.vector_store %arg6[%swap3A_58], %sub3A_57 {strides = array<i32>} : memref<1024xf32, #tpu.memory_space<vmem>>, vector<1024xf32>,
      } else {
      }
    } else {
    }
    return
  }
  func.func @transform_0(%arg0: i32, %arg1: i32, %arg2: memref<2xi32, #tpu.memory_space<smem>>) -> (i32, i32) {
    %get3A = arith.constant 0 : index
    %get3A_0 = memref.load %arg2[%get3A] : memref<2xi32, #tpu.memory_space<smem>>
    %sub3A = arith.constant 1 : i32
    %sub3A_1 = arith.subi %get3A_0, %sub3A : i32
    %max3A = arith.constant 0 : i32
    %max3A_2 = arith.maxsi %sub3A_1, %max3A : i32
    %jit3A = arith.constant 0 : i32
    %max3A_3 = arith.maxsi %jit3A, %arg1 : i32
    %min3A = arith.minsi %max3A_2, %max3A_3 : i32
    %get3A_4 = arith.constant 1 : index
    %get3A_5 = memref.load %arg2[%get3A_4] : memref<2xi32, #tpu.memory_space<smem>>
    %add3A = arith.addi %min3A, %get3A_5 : i32
    %c2_i32 = arith.constant 2 : i32
    %c0_i32 = arith.constant 0 : i32
    return %add3A, %c2_i32 : i32, i32
  }
  func.func @transform_1(%arg0: i32, %arg1: i32, %arg2: memref<2xi32, #tpu.memory_space<smem>>) -> (i32, i32) {
    %c0_i32 = arith.constant 0 : i32
    %c0_i32_0 = arith.constant 0 : i32
    return %arg0, %c0_i32 : i32, i32
  }
  func.func @transform_2(%arg0: i32, %arg1: i32, %arg2: memref<2xi32, #tpu.memory_space<smem>>) -> i32 {
    %get3A = arith.constant 0 : index
    %get3A_0 = memref.load %arg2[%get3A] : memref<2xi32, #tpu.memory_space<smem>>
    %sub3A = arith.constant 1 : i32
    %sub3A_1 = arith.subi %get3A_0, %sub3A : i32
    %max3A = arith.constant 0 : i32
    %max3A_2 = arith.maxsi %sub3A_1, %max3A : i32
    %jit3A = arith.constant 0 : i32
    %max3A_3 = arith.maxsi %jit3A, %arg1 : i32
    %min3A = arith.minsi %max3A_2, %max3A_3 : i32
    %get3A_4 = arith.constant 1 : index
    %get3A_5 = memref.load %arg2[%get3A_4] : memref<2xi32, #tpu.memory_space<smem>>
    %add3A = arith.addi %min3A, %get3A_5 : i32
    %c0_i32 = arith.constant 0 : i32
    return %add3A : i32
  }
  func.func @transform_3(%arg0: i32, %arg1: i32, %arg2: memref<2xi32, #tpu.memory_space<smem>>) -> i32 {
    %get3A = arith.constant 0 : index
    %get3A_0 = memref.load %arg2[%get3A] : memref<2xi32, #tpu.memory_space<smem>>
    %sub3A = arith.constant 1 : i32
    %sub3A_1 = arith.subi %get3A_0, %sub3A : i32
    %max3A = arith.constant 0 : i32
    %max3A_2 = arith.maxsi %sub3A_1, %max3A : i32
    %jit3A = arith.constant 0 : i32
    %max3A_3 = arith.maxsi %jit3A, %arg1 : i32
    %min3A = arith.minsi %max3A_2, %max3A_3 : i32
    %get3A_4 = arith.constant 1 : index
    %get3A_5 = memref.load %arg2[%get3A_4] : memref<2xi32, #tpu.memory_space<smem>>
    %add3A = arith.addi %min3A, %get3A_5 : i32
    %c0_i32 = arith.constant 0 : i32
    return %add3A : i32
  }
}

module attributes {stable_mosaic.version = 14 : i64} {
  func.func @_routed_body(%arg0: i32, %arg1: i32, %arg2: memref<2xi32, #tpu.memory_space<smem>>, %arg3: memref<1024x512xbf16, #tpu.memory_space<vmem>>, %arg4: memref<4096x512xbf16, #tpu.memory_space<vmem>>, %arg5: memref<1024xi32, #tpu.memory_space<vmem>>, %arg6: memref<1024xf32, #tpu.memory_space<vmem>>, %arg7: memref<8x1024xf32, #tpu.memory_space<vmem>>, %arg8: memref<8x1024xf32, #tpu.memory_space<vmem>>) attributes {dimension_semantics = [#tpu.dimension_semantics<arbitrary>, #tpu.dimension_semantics<arbitrary>], iteration_bounds = array<i64: 2, 8>, scalar_prefetch = 1 : i64, scratch_operands = 2 : i64, tpu.core_type = #tpu.core_type<tc>, window_params = [{transform_indices = @transform_0, window_bounds = array<i64: 1024, 512>}, {transform_indices = @transform_1, window_bounds = array<i64: 4096, 512>}, {transform_indices = @transform_2, window_bounds = array<i64: 1024>}, {transform_indices = @transform_3, window_bounds = array<i64: 1024>}]} {
    %get3A = arith.constant 0 : index
    %get3A_0 = memref.load %arg2[%get3A] : memref<2xi32, #tpu.memory_space<smem>>
    %lt3A = arith.cmpi slt, %arg1, %get3A_0 : i32
    %convert_element_type3A = arith.extui %lt3A : i1 to i32
    %cond3A = arith.constant 0 : i32
    %cond3A_1 = arith.cmpi ne, %convert_element_type3A, %cond3A : i32
    scf.if %cond3A_1 {
      %eq3A = arith.constant 0 : i32
      %eq3A_2 = arith.cmpi eq, %arg0, %eq3A : i32
      %convert_element_type3A_3 = arith.extui %eq3A_2 : i1 to i32
      %cond3A_4 = arith.constant 0 : i32
      %cond3A_5 = arith.cmpi ne, %convert_element_type3A_3, %cond3A_4 : i32
      scf.if %cond3A_5 {
        %broadcast_in_dim3A_47 = arith.constant 0.000000e+00 : f32
        %broadcast_in_dim3A_48 = vector.broadcast %broadcast_in_dim3A_47 : f32 to vector<1024xf32>
        %swap3A_49 = arith.index_cast %arg1 : i32 to index
        %swap3A_50 = arith.constant 0 : index
        %swap3A_51 = vector.load %arg7[%swap3A_49, %swap3A_50] : memref<8x1024xf32, #tpu.memory_space<vmem>>, vector<1x1024xf32>
        %swap3A_52 = vector.shape_cast %swap3A_51 : vector<1x1024xf32> to vector<1024xf32>
        %swap3A_53 = vector.shape_cast %broadcast_in_dim3A_48 : vector<1024xf32> to vector<1x1024xf32>
        tpu.vector_store %arg7[%swap3A_49, %swap3A_50], %swap3A_53 {strides = array<i32>} : memref<8x1024xf32, #tpu.memory_space<vmem>>, vector<1x1024xf32>,
        %broadcast_in_dim3A_54 = arith.constant 0.000000e+00 : f32
        %broadcast_in_dim3A_55 = vector.broadcast %broadcast_in_dim3A_54 : f32 to vector<1024xf32>
        %swap3A_56 = arith.index_cast %arg1 : i32 to index
        %swap3A_57 = arith.constant 0 : index
        %swap3A_58 = vector.load %arg8[%swap3A_56, %swap3A_57] : memref<8x1024xf32, #tpu.memory_space<vmem>>, vector<1x1024xf32>
        %swap3A_59 = vector.shape_cast %swap3A_58 : vector<1x1024xf32> to vector<1024xf32>
        %swap3A_60 = vector.shape_cast %broadcast_in_dim3A_55 : vector<1024xf32> to vector<1x1024xf32>
        tpu.vector_store %arg8[%swap3A_56, %swap3A_57], %swap3A_60 {strides = array<i32>} : memref<8x1024xf32, #tpu.memory_space<vmem>>, vector<1x1024xf32>,
      } else {
      }
      %get3A_6 = arith.constant 0 : index
      %get3A_7 = arith.constant 0 : index
      %get3A_8 = vector.load %arg3[%get3A_6, %get3A_7] : memref<1024x512xbf16, #tpu.memory_space<vmem>>, vector<1024x512xbf16>
      %get3A_9 = arith.constant 0 : index
      %get3A_10 = arith.constant 0 : index
      %get3A_11 = vector.load %arg4[%get3A_9, %get3A_10] : memref<4096x512xbf16, #tpu.memory_space<vmem>>, vector<4096x512xbf16>
      %dot_general3A = arith.constant dense<0.000000e+00> : vector<1024x4096xf32>
      %dot_general3A_12 = tpu.matmul %get3A_8, %get3A_11, %dot_general3A {dimension_numbers = #tpu.dot_dimension_numbers<[1], [1], [0], [0], [0, 0, 1, 0], [], []>, transpose_lhs_hint = false} : vector<1024x512xbf16>, vector<4096x512xbf16>, vector<1024x4096xf32> -> vector<1024x4096xf32>
      %mul3A = arith.constant 4096 : i32
      %mul3A_13 = arith.muli %arg0, %mul3A : i32
      %iota3A = tpu.iota {dimensions = array<i32: 1>} : vector<1024x4096xi32>
      %add3A = vector.broadcast %mul3A_13 : i32 to vector<1024x4096xi32>
      %add3A_14 = arith.addi %add3A, %iota3A : vector<1024x4096xi32>
      %get3A_15 = arith.constant 0 : index
      %get3A_16 = vector.load %arg5[%get3A_15] : memref<1024xi32, #tpu.memory_space<vmem>>, vector<1024xi32>
      %get3A_17 = arith.index_cast %arg1 : i32 to index
      %get3A_18 = arith.constant 0 : index
      %get3A_19 = vector.load %arg8[%get3A_17, %get3A_18] : memref<8x1024xf32, #tpu.memory_space<vmem>>, vector<1x1024xf32>
      %get3A_20 = vector.shape_cast %get3A_19 : vector<1x1024xf32> to vector<1024xf32>
      %broadcast_in_dim3A = vector.shape_cast %get3A_16 : vector<1024xi32> to vector<1024x1xi32>
      %eq3A_21 = vector.broadcast %broadcast_in_dim3A : vector<1024x1xi32> to vector<1024x4096xi32>
      %eq3A_22 = arith.cmpi eq, %add3A_14, %eq3A_21 : vector<1024x4096xi32>
      %jit3A = arith.constant 0.000000e+00 : f32
      %broadcast_in_dim3A_23 = vector.broadcast %jit3A : f32 to vector<1024x4096xf32>
      %select_n3A = arith.select %eq3A_22, %dot_general3A_12, %broadcast_in_dim3A_23 : vector<1024x4096xi1>, vector<1024x4096xf32>
      %reduce_sum3A = arith.constant dense<0.000000e+00> : vector<1024xf32>
      %reduce_sum3A_24 = vector.multi_reduction <add>, %select_n3A, %reduce_sum3A [1] : vector<1024x4096xf32> to vector<1024xf32>
      %add3A_25 = arith.addf %get3A_20, %reduce_sum3A_24 : vector<1024xf32>
      %swap3A = arith.index_cast %arg1 : i32 to index
      %swap3A_26 = arith.constant 0 : index
      %swap3A_27 = vector.load %arg8[%swap3A, %swap3A_26] : memref<8x1024xf32, #tpu.memory_space<vmem>>, vector<1x1024xf32>
      %swap3A_28 = vector.shape_cast %swap3A_27 : vector<1x1024xf32> to vector<1024xf32>
      %swap3A_29 = vector.shape_cast %add3A_25 : vector<1024xf32> to vector<1x1024xf32>
      tpu.vector_store %arg8[%swap3A, %swap3A_26], %swap3A_29 {strides = array<i32>} : memref<8x1024xf32, #tpu.memory_space<vmem>>, vector<1x1024xf32>,
      %get3A_30 = arith.index_cast %arg1 : i32 to index
      %get3A_31 = arith.constant 0 : index
      %get3A_32 = vector.load %arg7[%get3A_30, %get3A_31] : memref<8x1024xf32, #tpu.memory_space<vmem>>, vector<1x1024xf32>
      %get3A_33 = vector.shape_cast %get3A_32 : vector<1x1024xf32> to vector<1024xf32>
      %exp3A = math.exp %dot_general3A_12 : vector<1024x4096xf32>
      %reduce_sum3A_34 = arith.constant dense<0.000000e+00> : vector<1024xf32>
      %reduce_sum3A_35 = vector.multi_reduction <add>, %exp3A, %reduce_sum3A_34 [1] : vector<1024x4096xf32> to vector<1024xf32>
      %add3A_36 = arith.addf %get3A_33, %reduce_sum3A_35 : vector<1024xf32>
      %swap3A_37 = arith.index_cast %arg1 : i32 to index
      %swap3A_38 = arith.constant 0 : index
      %swap3A_39 = vector.load %arg7[%swap3A_37, %swap3A_38] : memref<8x1024xf32, #tpu.memory_space<vmem>>, vector<1x1024xf32>
      %swap3A_40 = vector.shape_cast %swap3A_39 : vector<1x1024xf32> to vector<1024xf32>
      %swap3A_41 = vector.shape_cast %add3A_36 : vector<1024xf32> to vector<1x1024xf32>
      tpu.vector_store %arg7[%swap3A_37, %swap3A_38], %swap3A_41 {strides = array<i32>} : memref<8x1024xf32, #tpu.memory_space<vmem>>, vector<1x1024xf32>,
      %eq3A_42 = arith.constant 1 : i32
      %eq3A_43 = arith.cmpi eq, %arg0, %eq3A_42 : i32
      %convert_element_type3A_44 = arith.extui %eq3A_43 : i1 to i32
      %cond3A_45 = arith.constant 0 : i32
      %cond3A_46 = arith.cmpi ne, %convert_element_type3A_44, %cond3A_45 : i32
      scf.if %cond3A_46 {
        %get3A_47 = arith.index_cast %arg1 : i32 to index
        %get3A_48 = arith.constant 0 : index
        %get3A_49 = vector.load %arg8[%get3A_47, %get3A_48] : memref<8x1024xf32, #tpu.memory_space<vmem>>, vector<1x1024xf32>
        %get3A_50 = vector.shape_cast %get3A_49 : vector<1x1024xf32> to vector<1024xf32>
        %get3A_51 = arith.index_cast %arg1 : i32 to index
        %get3A_52 = arith.constant 0 : index
        %get3A_53 = vector.load %arg7[%get3A_51, %get3A_52] : memref<8x1024xf32, #tpu.memory_space<vmem>>, vector<1x1024xf32>
        %get3A_54 = vector.shape_cast %get3A_53 : vector<1x1024xf32> to vector<1024xf32>
        %sub3A = arith.constant 1.920000e+02 : f32
        %sub3A_55 = vector.broadcast %sub3A : f32 to vector<1024xf32>
        %sub3A_56 = arith.subf %get3A_54, %sub3A_55 : vector<1024xf32>
        %log3A = math.log %sub3A_56 : vector<1024xf32>
        %sub3A_57 = arith.subf %get3A_50, %log3A : vector<1024xf32>
        %swap3A_58 = arith.constant 0 : index
        %swap3A_59 = vector.load %arg6[%swap3A_58] : memref<1024xf32, #tpu.memory_space<vmem>>, vector<1024xf32>
        tpu.vector_store %arg6[%swap3A_58], %sub3A_57 {strides = array<i32>} : memref<1024xf32, #tpu.memory_space<vmem>>, vector<1024xf32>,
      } else {
      }
    } else {
    }
    return
  }
  func.func @transform_0(%arg0: i32, %arg1: i32, %arg2: memref<2xi32, #tpu.memory_space<smem>>) -> (i32, i32) {
    %get3A = arith.constant 0 : index
    %get3A_0 = memref.load %arg2[%get3A] : memref<2xi32, #tpu.memory_space<smem>>
    %sub3A = arith.constant 1 : i32
    %sub3A_1 = arith.subi %get3A_0, %sub3A : i32
    %max3A = arith.constant 0 : i32
    %max3A_2 = arith.maxsi %sub3A_1, %max3A : i32
    %jit3A = arith.constant 0 : i32
    %max3A_3 = arith.maxsi %jit3A, %arg1 : i32
    %min3A = arith.minsi %max3A_2, %max3A_3 : i32
    %get3A_4 = arith.constant 1 : index
    %get3A_5 = memref.load %arg2[%get3A_4] : memref<2xi32, #tpu.memory_space<smem>>
    %add3A = arith.addi %min3A, %get3A_5 : i32
    %c0_i32 = arith.constant 0 : i32
    %c0_i32_6 = arith.constant 0 : i32
    return %add3A, %c0_i32 : i32, i32
  }
  func.func @transform_1(%arg0: i32, %arg1: i32, %arg2: memref<2xi32, #tpu.memory_space<smem>>) -> (i32, i32) {
    %c0_i32 = arith.constant 0 : i32
    %c0_i32_0 = arith.constant 0 : i32
    return %arg0, %c0_i32 : i32, i32
  }
  func.func @transform_2(%arg0: i32, %arg1: i32, %arg2: memref<2xi32, #tpu.memory_space<smem>>) -> i32 {
    %get3A = arith.constant 0 : index
    %get3A_0 = memref.load %arg2[%get3A] : memref<2xi32, #tpu.memory_space<smem>>
    %sub3A = arith.constant 1 : i32
    %sub3A_1 = arith.subi %get3A_0, %sub3A : i32
    %max3A = arith.constant 0 : i32
    %max3A_2 = arith.maxsi %sub3A_1, %max3A : i32
    %jit3A = arith.constant 0 : i32
    %max3A_3 = arith.maxsi %jit3A, %arg1 : i32
    %min3A = arith.minsi %max3A_2, %max3A_3 : i32
    %get3A_4 = arith.constant 1 : index
    %get3A_5 = memref.load %arg2[%get3A_4] : memref<2xi32, #tpu.memory_space<smem>>
    %add3A = arith.addi %min3A, %get3A_5 : i32
    %c0_i32 = arith.constant 0 : i32
    return %add3A : i32
  }
  func.func @transform_3(%arg0: i32, %arg1: i32, %arg2: memref<2xi32, #tpu.memory_space<smem>>) -> i32 {
    %get3A = arith.constant 0 : index
    %get3A_0 = memref.load %arg2[%get3A] : memref<2xi32, #tpu.memory_space<smem>>
    %sub3A = arith.constant 1 : i32
    %sub3A_1 = arith.subi %get3A_0, %sub3A : i32
    %max3A = arith.constant 0 : i32
    %max3A_2 = arith.maxsi %sub3A_1, %max3A : i32
    %jit3A = arith.constant 0 : i32
    %max3A_3 = arith.maxsi %jit3A, %arg1 : i32
    %min3A = arith.minsi %max3A_2, %max3A_3 : i32
    %get3A_4 = arith.constant 1 : index
    %get3A_5 = memref.load %arg2[%get3A_4] : memref<2xi32, #tpu.memory_space<smem>>
    %add3A = arith.addi %min3A, %get3A_5 : i32
    %c0_i32 = arith.constant 0 : i32
    return %add3A : i32
  }
}

</mosaic_0001>

<sc_bundles>
// kernel: gather_offload_async_start.1
scs
__scs_entry_jumppad:
0x0: {  	(pc) =	sbr.rel $0x88, $3  }
0x1: {  	(tag) =	ssettag $0x0;
	lr =	simm.s32 $0x1  }
0x2: {  	[smem:$0x3F98] =	sst lr;
	_ =	strace $0xD0000000  }
0x3: {  	_ = 	snop  }
0x4: {  	_ = 	snop  }
0x5: {  	_ = 	snop  }
0x6: {  	_ = 	snop  }
0x7: {  	_ = 	snop  }
__scs_overlays_trampoline_lowered:
0x8: {  	[smem:$0x3FA7] =	sst s0  }
0x9: {  	[smem:$0x3FA8] =	sst s1  }
0xa: {  	[smem:$0x3FA9] =	sst s2  }
0xb: {  	[smem:$0x3FAA] =	sst s3  }
0xc: {  	[smem:$0x3FAB] =	sst s4  }
0xd: {  	[smem:$0x3FAC] =	sst s5  }
0xe: {  	[smem:$0x3FAD] =	sst s6  }
0xf: {  	[smem:$0x3FAE] =	sst s7  }
0x10: {  	[smem:$0x3FAF] =	sst s8  }
0x11: {  	[smem:$0x3FB0] =	sst s9;
	s0 =	simm.s32 @!p0 $0x0  }
0x12: {  	s1 =	sld [smem:$0x3F96];
	s0 =	simm.s32 @p0 $0x1  }
0x13: {  	[smem:$0x3FB1] =	sst s0;
	s0 =	simm.s32 @!p1 $0x0  }
0x14: {  	s2 =	sld [smem:$0x3F95];
	s0 =	simm.s32 @p1 $0x1  }
0x15: {  	[smem:$0x3FB2] =	sst s0;
	s0 =	simm.s32 @!p2 $0x0  }
0x16: {  	s3 =	sld [smem:$0x3FDB];
	s0 =	simm.s32 @p2 $0x1  }
0x17: {  	s4 =	simm.s32 $0x1BF5;
	[smem:$0x3FB4] =	sst s0  }
0x18: {  	s0 =	sld [smem:$0x3F97];
	_ =	swait.ge [sflag:s4], $0x0  }
0x19: {  	s7 =	sld [smem:$0x3F98]  }
0x1a: {  	s8 =	sadd.s32 $0xFFFFE003, lr  }
0x1b: {  	s9 =	sadd.s32 $0xFFFFFEF7, lr;
	s5 =	simm.s32 $0xFFFFFFFF;
	p2 =	slt.u32 s8, $0xFFFFF086  }
0x1c: {  	p1 =	slt.u32 s9, $0xF7A;
	s5 =	simm.s32 @!p2 $0x0  }
0x1d: {  	s5 =	simm.s32 @p1 $0x1;
	p0 =	seq.s32 s7, s2  }
0x1e: {  	s7 =	smul.u32 @!p0 $0xF7A, s2;
	p2 =	seq.s32 @!p0 s5, $0x0  }
0x1f: {  	s9 =	smul.u32 $0xF7A, s1;
	s8 =	simm.s32 @!p0 $0x1BF5;
	p2 =	por !p2, p0  }
0x20: {  	[sflag:s8] =	ssyncset.s32 @!p0 $0xFFFFF086;
	s6 =	sadd.s32 @!p0 s3, s7;
	s7 =	simm.s32 @!p0 $0x108  }
0x21: {  	s3 =	sadd.s32 s3, s9;
	s6 =	sadd.s32 @!p0 $0x88, s6;
	s7 =	simm.s32 @p2 $0x1082  }
0x22: {  	[simem:s7], [sflag:s8] =	dma.local @!p0 [hbm:s6], $0xF7A  }
0x23: {  	s9 =	sor.u32 $0xD0000000, s2;
	s6 =	simm.s32 $0x108;
	_ =	swait.ge @!p0 [sflag:s8], $0x0  }
0x24: {  	s3 =	sadd.s32 $0x88, s3;
	s6 =	simm.s32 @!p1 $0x1082;
	[sflag:s4] =	ssyncset.s32 $0xFFFFF086  }
0x25: {  	[simem:s6], [sflag:s4] =	dma.local [hbm:s3], $0xF7A  }
0x26: {  	[smem:$0x3F98] =	sst s1;
	(tag) =	ssettag s2;
	_ =	strace s9  }
0x27: {  	s1 =	sld [smem:$0x3FA8]  }
0x28: {  	s2 =	sld [smem:$0x3FA9]  }
0x29: {  	s4 =	sld [smem:$0x3FAB]  }
0x2a: {  	p0 =	seq.s32 s5, $0x0;
	s5 =	sld [smem:$0x3FAC]  }
0x2b: {  	s6 =	sld [smem:$0x3FAD]  }
0x2c: {  	s7 =	sld [smem:$0x3FAE]  }
0x2d: {  	s3 =	simm.s32 $0x108;
	s8 =	sld [smem:$0x3FAF]  }
0x2e: {  	s3 =	simm.s32 @!p0 $0x1082;
	s9 =	sld [smem:$0x3FB0]  }
0x2f: {  	lr =	sadd.s32 s0, s3;
	s0 =	sld [smem:$0x3FA7]  }
0x30: {  	s3 =	sld [smem:$0x3FAA]  }
0x31: {  	[smem:$0x3FB3] =	sst s10  }
0x32: {  	s10 =	sld [smem:$0x3FB1];
	_ =	sdelay $0x3  }
0x33: {  	p0 =	seq.s32 s10, $0x1;
	s10 =	sld [smem:$0x3FB3];
	_ =	sdelay $0x3  }
0x34: {  	[smem:$0x3FB3] =	sst s10  }
0x35: {  	s10 =	sld [smem:$0x3FB2];
	_ =	sdelay $0x3  }
0x36: {  	p1 =	seq.s32 s10, $0x1;
	s10 =	sld [smem:$0x3FB3];
	_ =	sdelay $0x3  }
0x37: {  	[smem:$0x3FB3] =	sst s10  }
0x38: {  	s10 =	sld [smem:$0x3FB4]  }
0x39: {  	_ = 	snop;
	(pc) =	sbr.ind lr, $3  }
0x3a: {  	_ = 	snop  }
0x3b: {  	_ = 	snop  }
0x3c: {  	p2 =	seq.s32 s10, $0x1;
	s10 =	sld [smem:$0x3FB3]  }
0x3d: {  	_ =	shalt  }
0x3e: {  	_ =	shalt  }
0x3f: {  	_ =	shalt  }
0x40: {  	_ =	shalt  }
0x41: {  	_ =	shalt  }
0x42: {  	_ =	shalt  }
0x43: {  	_ =	shalt  }
0x44: {  	_ =	shalt  }
0x45: {  	_ =	shalt  }
0x46: {  	_ =	shalt  }
0x47: {  	_ =	shalt  }
0x48: {  	_ =	shalt  }
0x49: {  	_ =	shalt  }
0x4a: {  	_ =	shalt  }
0x4b: {  	_ =	shalt  }
0x4c: {  	_ =	shalt  }
0x4d: {  	_ =	shalt  }
0x4e: {  	_ =	shalt  }
0x4f: {  	_ =	shalt  }
0x50: {  	_ =	shalt  }
0x51: {  	_ =	shalt  }
0x52: {  	_ =	shalt  }
0x53: {  	_ =	shalt  }
0x54: {  	_ =	shalt  }
0x55: {  	_ =	shalt  }
0x56: {  	_ =	shalt  }
0x57: {  	_ =	shalt  }
0x58: {  	_ =	shalt  }
0x59: {  	_ =	shalt  }
0x5a: {  	_ =	shalt  }
0x5b: {  	_ =	shalt  }
0x5c: {  	_ =	shalt  }
0x5d: {  	_ =	shalt  }
0x5e: {  	_ =	shalt  }
0x5f: {  	_ =	shalt  }
0x60: {  	_ =	shalt  }
0x61: {  	_ =	shalt  }
0x62: {  	_ =	shalt  }
0x63: {  	_ =	shalt  }
0x64: {  	_ =	shalt  }
0x65: {  	_ =	shalt  }
0x66: {  	_ =	shalt  }
0x67: {  	_ =	shalt  }
0x68: {  	_ =	shalt  }
0x69: {  	_ =	shalt  }
0x6a: {  	_ =	shalt  }
0x6b: {  	_ =	shalt  }
0x6c: {  	_ =	shalt  }
0x6d: {  	_ =	shalt  }
0x6e: {  	_ =	shalt  }
0x6f: {  	_ =	shalt  }
0x70: {  	_ =	shalt  }
0x71: {  	_ =	shalt  }
0x72: {  	_ =	shalt  }
0x73: {  	_ =	shalt  }
0x74: {  	_ =	shalt  }
0x75: {  	_ =	shalt  }
0x76: {  	_ =	shalt  }
0x77: {  	_ =	shalt  }
0x78: {  	_ =	shalt  }
0x79: {  	_ =	shalt  }
0x7a: {  	_ =	shalt  }
0x7b: {  	_ =	shalt  }
0x7c: {  	_ =	shalt  }
0x7d: {  	_ =	shalt  }
0x7e: {  	_ =	shalt  }
0x7f: {  	_ =	shalt  }
0x80: {  	_ =	shalt  }
0x81: {  	_ =	shalt  }
0x82: {  	_ =	shalt  }
0x83: {  	_ =	shalt  }
0x84: {  	_ =	shalt  }
0x85: {  	_ =	shalt  }
0x86: {  	_ =	shalt  }
0x87: {  	_ =	shalt  }
.Lfunc_end0:
.L_simem_size_0:
called_computation.3_lowered:
.L_overlay_start_0:
0x88: {  	s2 =	sld [smem:$0x3FD9]  }
0x89: {  	s3 =	sld [smem:$0x3FFE];
	_ =	sdelay $0x1  }
0x8a: {  	s1 =	srdreg.scid  }
0x8b: {  	s0 =	sand.u32 $0x1, s1  }
0x8c: {  	s17 =	sshll.u32 s0, $0xA;
	s2 =	sadd.s32 s3, s2  }
0x8d: {  	s2 =	sadd.s32 s2, s17  }
0x8e: {  	[smem:$0x3FBF] =	sst s2  }
0x8f: {  	_ = 	snop  }
0x90: {  	s2 =	sld [smem:$0x3FD0];
	(tm) =	ssettm $0x1  }
0x91: {  	s18 =	sld [smem:$0x3FFB];
	_ =	sdelay $0x3  }
0x92: {  	_ =	strace s18  }
0x93: {  	s3 =	sld [smem:$0x3FFC];
	_ =	sdelay $0x3  }
0x94: {  	_ =	strace s3  }
0x95: {  	s3 =	sld [smem:$0x3FFD];
	_ =	sdelay $0x3  }
0x96: {  	_ =	strace s3  }
0x97: {  	_ =	strace $0x8FFFFFFF  }
0x98: {  	s19 =	sld [smem:$0x3FDB];
	_ =	sdelay $0x1  }
0x99: {  	s4 =	simm.s32 $_scs_section_size  }
0x9a: {  	s5 =	simm.s32 $_size__tile_overlayer_lowered;
	s6 =	simm.s32 $_tile_overlayer_lowered  }
0x9b: {  	s22 =	simm.s32 $0x1BFF;
	s21 =	sshll.u32 s6, $0x1;
	s3 =	sadd.s32 s4, s19  }
0x9c: {  	s7 =	simm.s32 $0x0;
	s20 =	sshll.u32 s5, $0x1;
	s5 =	sadd.s32 s21, s3  }
0x9d: {  	[timem:s7], [sflag:s22] =	dma.local [hbm:s5], s20  }
0x9e: {  	_ =	swait.ge [sflag:s22], s20  }
0x9f: {  	s4 =	ssub.s32 $0x0, s20;
	[sflag:s22] =	ssyncset.done $0x0  }
0xa0: {  	[sflag:s22] =	ssyncadd.s32 s4;
	_ =	sdelay $0x1  }
0xa1: {  	s23 =	simm.s32 $0x1B8B  }
0xa2: {  	_ =	swait.ge [sflag:s23], $0x1  }
0xa3: {  	[sflag:s23] =	ssyncset.done $0x0  }
0xa4: {  	s25 =	simm.s32 $0x1B8E;
	s24 =	sld [smem:$0x3FFE];
	[sflag:s23] =	ssyncadd.s32 $0xFFFFFFFF  }
0xa5: {  	s26 =	simm.s32 $execute0_lowered;
	[smem:$0x3FD2] =	sst s25  }
0xa6: {  	s5 =	sshll.u32 s26, $0x1;
	_ =	strace $0x80000052;
	[dreg:$0x1] =	wrdreg $0xFFFFFFFF  }
0xa7: {  	s28 =	simm.s32 $_size_execute0_lowered;
	s3 =	sadd.s32 s3, s5;
	[dreg:$0x0] =	wrdreg $0x0  }
0xa8: {  	s5 =	sshll.u32 s28, $0x1;
	[dreg:$0x2] =	wrdreg s3  }
0xa9: {  	[dreg:$0x3] =	wrdreg s5  }
0xaa: {  	[dreg:$0x4] =	wrdreg $0xC0  }
0xab: {  	_ =	task [dreg:s7], $0x5FFFF  }
0xac: {  	[dreg:$0x1] =	wrdreg $0xFFFFFFFF  }
0xad: {  	[dreg:$0x0] =	wrdreg $0x60  }
0xae: {  	[dreg:$0x2] =	wrdreg s24  }
0xaf: {  	[dreg:$0x3] =	wrdreg s2  }
0xb0: {  	[dreg:$0x4] =	wrdreg $0x9  }
0xb1: {  	_ =	task.clear_ibuf [dreg:s7], $0x5FFFF;
	_ =	strace $0x90000052  }
0xb2: {  	s29 =	simm.s32 $0x9;
	_ =	strace $0x80000054  }
0xb3: {  	_ =	swait.ge [sflag:s29], $0x1  }
0xb4: {  	[sflag:s29] =	ssyncadd.s32 $0xFFFFFFFF  }
0xb5: {  	_ =	strace $0x90000054  }
0xb6: {  	_ =	sfence  }
0xb7: {  	s30 =	sld [smem:$0x0];
	_ =	sdelay $0x2  }
0xb8: {  	s31 =	sshll.u32 s1, $0xD;
	s1 =	sshrl.u32 s1, $0x2  }
0xb9: {  	s3 =	sand.u32 $0x4000, s31;
	s1 =	sadd.s32 s1, s30  }
0xba: {  	s0 =	sor.u32 s3, s0;
	s1 =	sshll.u32 s1, $0x11  }
0xbb: {  	s0 =	sor.u32 s1, s0  }
0xbc: {  	s0 =	sadd.s32 $0x8F2B, s0  }
0xbd: {  	[sflag:s0] =	ssyncadd.remote.s32 $0x1  }
0xbe: {  	_ =	sfence.sel $0xFFFF  }
0xbf: {  	[dreg:$0x0] =	wrdreg $0xFFFFFFFF;
	(pc) =	sbr.abs _section_cstart, $3  }
0xc0: {  	[dreg:$0x1] =	wrdreg $0xFFFFFFFF  }
0xc1: {  	_ =	task.clear_ibuf [dreg:s7], $0x2FFFF;
	_ =	strace $0x9FFFFFFF  }
0xc2: {  	(tm) =	ssettm $0x7FFFFFFF  }
0xc3: {  	_ =	shalt  }
tec
execute0_lowered:
.L_overlay_start_1:
0x0: {  	(tag) =	ssettag $0x1  }
0x1: {  	s5 =	rddreg [dreg:$0x0];
	s0 =	srdreg.scid  }
0x2: {  	s2 =	rddreg [dreg:$0x1];
	s1 =	stileid.u32;
	s6 =	simm.s32 $0x1  }
0x3: {  	s9 =	simm.s32 $0x1;
	s10 =	simm.s32 $0x3;
	s3 =	sshll.u32 s0, $0x7  }
0x4: {  	s13 =	simm.s32 $0x0;
	s4 =	sshll.u32 s1, $0x8;
	s3 =	sand.u32 $0x80, s3  }
0x5: {  	s0 =	rddreg [dreg:$0x2];
	_ =	strace $0x80000053;
	s3 =	sor.u32 s4, s3  }
0x6: {  	s12 =	simm.s32 $0x0;
	[sflag:s6] =	ssyncpa.u1 $0x0;
	s8 =	ssub.s32 $0x2000, s3  }
.Ltmp0:
0x7: {  	s4 =	sadd.s32 $0x200A00, s5;
	s7 =	sand.u32 $0xF80, s8;
	(pc) =	sbr.rel .LBB2_1-.Ltmp0, $4  }
0x8: {  	s5 =	sadd.s32 $0x400, s5;
	s11 =	smov.u32 s3;
	p0 =	sne.s32 s7, $0x0  }
0x9: {  	s8 =	sshrl.u32 s8, $0xC;
	s7 =	simm.s32 $0x2;
	s9 =	simm.s32 @!p0 $0x0  }
0xa: {  	[sflag:s7] =	ssyncpa.u1 $0x0;
	p0 =	por $0x0, $0x0;
	s8 =	sadd.s32 s9, s8  }
0xb: {  	vm0 =	vmmov $0xffff;
	[sflag:s10] =	ssyncpa.u1 $0x0;
	s10 =	simm.s32 $0x0;
	s9 =	sadd.s32 $0x1, s8  }
.LBB2_4:
0xc: {  	v2 =	vnsel vm1, $0x0, v2  }
0xd: {  	vm1 =	vgt.s32 v0, $0x0;
	v2 =	vmin.u32 v2, $0x8FFF  }
0xe: {  	v0 =	vnsel vm1, $0x0, v0  }
0xf: {  	v0 =	vmin.u32 v0, $0x8FFF  }
0x10: {  	[tilespmem:s15], [sflag:$0x1] =	stream.indirect_vreg.gather [hbm4b:s4+s10], $0x1, v1, vm0, $0x4038;
	[tilespmem:$0x200] =	vst v63  }
0x11: {  	(ifvalue) =	ssetifvalue $0x7FFFFFFF  }
0x12: {  	[tilespmem:s16], [sflag:$0x1] =	stream.indirect_vreg.gather [hbm4b:s4+s10], $0x1, v2, vm0, $0x4038;
	[tilespmem:$0x200] =	vst v63  }
0x13: {  	s29 =	sadd.s32 $0x10, s16;
	(ifvalue) =	ssetifvalue $0x7FFFFFFF  }
0x14: {  	[tilespmem:s29], [sflag:$0x1] =	stream.indirect_vreg.gather [hbm4b:s4+s10], $0x1, v0, vm0, $0x4038;
	[tilespmem:$0x200] =	vst v63  }
0x15: {  	_ =	swait.ge [sflag:s6], $0x80  }
0x16: {  	s30 =	sshrl.u32 s13, $0x3;
	[sflag:s6] =	ssyncset.done $0x0  }
0x17: {  	s31 =	sand.u32 $0x7, s13;
	s15 =	sadd.s32 s5, s30;
	[sflag:s6] =	ssyncadd.s32 $0xFFFFFF80  }
0x18: {  	[hbm4b:s15+s31] =	stream.linear.scatter [tilespmem:s14], [sflag:$0x3], $0x80, $0x38;
	[tilespmem:$0x200] =	vst v63  }
.LBB2_5:
0x19: {  	s15 =	sadd.s32 $0x1000, s11  }
0x1a: {  	p2 =	sgt.s32 s15, $0x1FFF  }
0x1b: {  	s15 =	smov.u32 @p2 s3;
	p2 =	sne.s32 s12, s9  }
.Ltmp1:
0x1c: {  	p1 =	slt.u32 s12, $0x2;
	(pc) =	sbr.rel @!p2 .LBB2_6-.Ltmp1, $4  }
0x1d: {  	s14 =	simm.s32 @!p1 $0x3  }
0x1e: {  	s16 =	sadd.s32 $0x1, s12;
	_ =	swait.ge @!p1 [sflag:s14], $0x80  }
0x1f: {  	s13 =	smov.u32 s11;
	p0 =	por !p0, !p0;
	[sflag:s14] =	ssyncset.done @!p1 $0x0  }
0x20: {  	s12 =	smov.u32 s16;
	s11 =	smov.u32 s15;
	[sflag:s14] =	ssyncadd.s32 @!p1 $0xFFFFFF80  }
.LBB2_1:
0x21: {  	p1 =	sge.u32 s12, s8  }
0x22: {  	s14 =	sxor.u32 @!p1 $0xFFFFFFFF, s12  }
0x23: {  	s31 =	sadd.s32 $0xFFFFFFFF, s12;
	s15 =	sshrl.u32 @!p1 s11, $0x3;
	s14 =	sshll.u32 @!p1 s14, $0x7  }
0x24: {  	s16 =	sand.u32 @!p1 $0x7, s11;
	s15 =	sadd.s32 @!p1 s2, s15;
	s14 =	sand.u32 @!p1 $0x80, s14  }
0x25: {  	[tilespmem:s14], [sflag:$0x2] =	stream.linear.gather @!p1 [hbm4b:s15+s16], $0x80, $0x38;
	[tilespmem:$0x200] =	vst v63  }
0x26: {  	p1 =	sge.u32 s31, s8  }
.Ltmp2:
0x27: {  	_ = 	snop;
	(pc) =	sbr.rel @p1 .LBB2_5-.Ltmp2, $1  }
0x28: {  	_ =	sdelay $0x3  }
0x29: {  	s14 =	simm.s32 $0x1  }
0x2a: {  	_ =	swait.ge [sflag:s7], $0x80;
	s14 =	simm.s32 @!p0 $0x0  }
0x2b: {  	[sflag:s7] =	ssyncset.done $0x0;
	s14 =	sshll.u32 s14, $0x7  }
0x2c: {  	[sflag:s7] =	ssyncadd.s32 $0xFFFFFF80;
	(ifvalue) =	ssetifvalue $0x7FFFFFFF;
	v0 =	vld.msk [tilespmem:s14+$0x0 ss:$0x1], $0xffff;
	_ =	sdelay $0x4  }
0x2d: {  	s15 =	sadd.s32 $0x10, s14;
	vm1 =	vgt.s32 v0, $0x0  }
0x2e: {  	v2 =	vld.msk [tilespmem:s15+$0x0 ss:$0x1], $0xffff;
	v1 =	vnsel vm1, $0x0, v0  }
0x2f: {  	v1 =	vmin.u32 v1, $0x8FFF;
	_ =	sdelay $0x1  }
0x30: {  	s16 =	sshll.u32 s12, $0x7;
	s18 =	simm.s32 $0x20  }
0x31: {  	s16 =	sand.u32 $0x80, s16;
	s17 =	sadd.s32 $0x10, s15;
	s15 =	sor.u32 $0x100, s14  }
0x32: {  	s14 =	sor.u32 $0x100, s16;
	s16 =	sadd.s32 $0x10, s15;
	v0 =	vld.msk [tilespmem:s17+$0x0 ss:$0x1], $0xffff;
	vm1 =	vgt.s32 v2, $0x0;
	(ifvalue) =	ssetifvalue $0x7FFFFFFF  }
.LBB2_3:
0x33: {  	[tilespmem:s15], [sflag:$0x1] =	stream.indirect_vreg.gather [hbm4b:s4+s10], $0x1, v1, vm0, $0x4038;
	[tilespmem:$0x200] =	vst v63  }
0x34: {  	s18 =	sadd.s32 $0x10, s18  }
0x35: {  	v2 =	vnsel vm1, $0x0, v2;
	p1 =	slt.u32 s18, $0x70  }
.Ltmp3:
0x36: {  	s15 =	smov.u32 s16;
	v1 =	vmin.u32 v2, $0x8FFF;
	(pc) =	sbr.rel @p1 .LBB2_3-.Ltmp3, $3  }
0x37: {  	_ =	sdelay $0x1  }
0x38: {  	s17 =	sadd.s32 $0x10, s17  }
0x39: {  	vm1 =	vgt.s32 v0, $0x0;
	s16 =	sadd.s32 $0x10, s16;
	v2 =	vmov v0;
	(ifvalue) =	ssetifvalue $0x7FFFFFFF;
	v0 =	vld.msk [tilespmem:s17+$0x0 ss:$0x1], $0xffff  }
.Ltmp4:
0x3a: {  	_ = 	snop;
	(pc) =	sbr.rel .LBB2_4-.Ltmp4, $1  }
0x3b: {  	_ =	sdelay $0x3  }
.LBB2_6:
0x3c: {  	_ =	sfence.sel $0x180000  }
0x3d: {  	s2 =	simm.s32 $0x2;
	[bflag:$0x0] =	sbarrier.arrive $0xFFFF  }
0x3e: {  	s30 =	simm.s32 $0x3;
	[sflag:s2] =	ssyncpa.u1 $0x1  }
0x3f: {  	s31 =	simm.s32 $0x1;
	[sflag:s30] =	ssyncpa.u1 $0x1  }
0x40: {  	[sflag:s31] =	ssyncpa.u1 $0x1  }
0x41: {  	p0 =	sne.s32 s1, $0x0;
	_ =	strace $0x90000053  }
0x42: {  	s0 =	sadd.s32 @!p0 $0x100000, s0;
	[bflag:$0x2] =	sbarrier.arrive $0xFFFF  }
0x43: {  	[sflag:s0] =	ssyncadd.tile.s32 @!p0 $0x1;
	_ =	shalt  }
.Lfunc_end2:
_tile_overlayer_lowered:
.L_overlay_start_2:
0x44: {  	(tag) =	ssettag $0x2  }
0x45: {  	s0 =	rddreg [dreg:$0x0];
	s2 =	stileid.u32  }
0x46: {  	s1 =	rddreg [dreg:$0x1];
	p0 =	sne.s32 s2, $0x0  }
0x47: {  	s3 =	rddreg [dreg:$0x2];
	[bflag:$0x3] =	sbarrier.arrive $0xFFFF;
	s2 =	simm.s32 @!p0 $0x1C01  }
0x48: {  	[timem:s3], [sflag:s2] =	dma.local @!p0 [hbm:s0], s1  }
0x49: {  	s0 =	simm.s32 @!p0 $0x1  }
0x4a: {  	_ =	swait.ge @!p0 [sflag:s0], s1  }
0x4b: {  	s1 =	ssub.s32 @!p0 $0x0, s1;
	[sflag:s0] =	ssyncset.done @!p0 $0x0  }
0x4c: {  	[sflag:s0] =	ssyncadd.s32 @!p0 s1  }
0x4d: {  	[bflag:$0x3] =	sbarrier.arrive $0xFFFF  }
0x4e: {  	_ =	shalt  }

// kernel: gather_offload_async_start
scs
__scs_entry_jumppad:
0x0: {  	(pc) =	sbr.rel $0x88, $3  }
0x1: {  	(tag) =	ssettag $0x0;
	lr =	simm.s32 $0x1  }
0x2: {  	[smem:$0x3F98] =	sst lr;
	_ =	strace $0xD0000000  }
0x3: {  	_ = 	snop  }
0x4: {  	_ = 	snop  }
0x5: {  	_ = 	snop  }
0x6: {  	_ = 	snop  }
0x7: {  	_ = 	snop  }
__scs_overlays_trampoline_lowered:
0x8: {  	[smem:$0x3FA7] =	sst s0  }
0x9: {  	[smem:$0x3FA8] =	sst s1  }
0xa: {  	[smem:$0x3FA9] =	sst s2  }
0xb: {  	[smem:$0x3FAA] =	sst s3  }
0xc: {  	[smem:$0x3FAB] =	sst s4  }
0xd: {  	[smem:$0x3FAC] =	sst s5  }
0xe: {  	[smem:$0x3FAD] =	sst s6  }
0xf: {  	[smem:$0x3FAE] =	sst s7  }
0x10: {  	[smem:$0x3FAF] =	sst s8  }
0x11: {  	[smem:$0x3FB0] =	sst s9;
	s0 =	simm.s32 @!p0 $0x0  }
0x12: {  	s1 =	sld [smem:$0x3F96];
	s0 =	simm.s32 @p0 $0x1  }
0x13: {  	[smem:$0x3FB1] =	sst s0;
	s0 =	simm.s32 @!p1 $0x0  }
0x14: {  	s2 =	sld [smem:$0x3F95];
	s0 =	simm.s32 @p1 $0x1  }
0x15: {  	[smem:$0x3FB2] =	sst s0;
	s0 =	simm.s32 @!p2 $0x0  }
0x16: {  	s3 =	sld [smem:$0x3FDB];
	s0 =	simm.s32 @p2 $0x1  }
0x17: {  	s4 =	simm.s32 $0x1BF5;
	[smem:$0x3FB4] =	sst s0  }
0x18: {  	s0 =	sld [smem:$0x3F97];
	_ =	swait.ge [sflag:s4], $0x0  }
0x19: {  	s7 =	sld [smem:$0x3F98]  }
0x1a: {  	s8 =	sadd.s32 $0xFFFFE003, lr  }
0x1b: {  	s9 =	sadd.s32 $0xFFFFFEF7, lr;
	s5 =	simm.s32 $0xFFFFFFFF;
	p2 =	slt.u32 s8, $0xFFFFF086  }
0x1c: {  	p1 =	slt.u32 s9, $0xF7A;
	s5 =	simm.s32 @!p2 $0x0  }
0x1d: {  	s5 =	simm.s32 @p1 $0x1;
	p0 =	seq.s32 s7, s2  }
0x1e: {  	s7 =	smul.u32 @!p0 $0xF7A, s2;
	p2 =	seq.s32 @!p0 s5, $0x0  }
0x1f: {  	s9 =	smul.u32 $0xF7A, s1;
	s8 =	simm.s32 @!p0 $0x1BF5;
	p2 =	por !p2, p0  }
0x20: {  	[sflag:s8] =	ssyncset.s32 @!p0 $0xFFFFF086;
	s6 =	sadd.s32 @!p0 s3, s7;
	s7 =	simm.s32 @!p0 $0x108  }
0x21: {  	s3 =	sadd.s32 s3, s9;
	s6 =	sadd.s32 @!p0 $0x88, s6;
	s7 =	simm.s32 @p2 $0x1082  }
0x22: {  	[simem:s7], [sflag:s8] =	dma.local @!p0 [hbm:s6], $0xF7A  }
0x23: {  	s9 =	sor.u32 $0xD0000000, s2;
	s6 =	simm.s32 $0x108;
	_ =	swait.ge @!p0 [sflag:s8], $0x0  }
0x24: {  	s3 =	sadd.s32 $0x88, s3;
	s6 =	simm.s32 @!p1 $0x1082;
	[sflag:s4] =	ssyncset.s32 $0xFFFFF086  }
0x25: {  	[simem:s6], [sflag:s4] =	dma.local [hbm:s3], $0xF7A  }
0x26: {  	[smem:$0x3F98] =	sst s1;
	(tag) =	ssettag s2;
	_ =	strace s9  }
0x27: {  	s1 =	sld [smem:$0x3FA8]  }
0x28: {  	s2 =	sld [smem:$0x3FA9]  }
0x29: {  	s4 =	sld [smem:$0x3FAB]  }
0x2a: {  	p0 =	seq.s32 s5, $0x0;
	s5 =	sld [smem:$0x3FAC]  }
0x2b: {  	s6 =	sld [smem:$0x3FAD]  }
0x2c: {  	s7 =	sld [smem:$0x3FAE]  }
0x2d: {  	s3 =	simm.s32 $0x108;
	s8 =	sld [smem:$0x3FAF]  }
0x2e: {  	s3 =	simm.s32 @!p0 $0x1082;
	s9 =	sld [smem:$0x3FB0]  }
0x2f: {  	lr =	sadd.s32 s0, s3;
	s0 =	sld [smem:$0x3FA7]  }
0x30: {  	s3 =	sld [smem:$0x3FAA]  }
0x31: {  	[smem:$0x3FB3] =	sst s10  }
0x32: {  	s10 =	sld [smem:$0x3FB1];
	_ =	sdelay $0x3  }
0x33: {  	p0 =	seq.s32 s10, $0x1;
	s10 =	sld [smem:$0x3FB3];
	_ =	sdelay $0x3  }
0x34: {  	[smem:$0x3FB3] =	sst s10  }
0x35: {  	s10 =	sld [smem:$0x3FB2];
	_ =	sdelay $0x3  }
0x36: {  	p1 =	seq.s32 s10, $0x1;
	s10 =	sld [smem:$0x3FB3];
	_ =	sdelay $0x3  }
0x37: {  	[smem:$0x3FB3] =	sst s10  }
0x38: {  	s10 =	sld [smem:$0x3FB4]  }
0x39: {  	_ = 	snop;
	(pc) =	sbr.ind lr, $3  }
0x3a: {  	_ = 	snop  }
0x3b: {  	_ = 	snop  }
0x3c: {  	p2 =	seq.s32 s10, $0x1;
	s10 =	sld [smem:$0x3FB3]  }
0x3d: {  	_ =	shalt  }
0x3e: {  	_ =	shalt  }
0x3f: {  	_ =	shalt  }
0x40: {  	_ =	shalt  }
0x41: {  	_ =	shalt  }
0x42: {  	_ =	shalt  }
0x43: {  	_ =	shalt  }
0x44: {  	_ =	shalt  }
0x45: {  	_ =	shalt  }
0x46: {  	_ =	shalt  }
0x47: {  	_ =	shalt  }
0x48: {  	_ =	shalt  }
0x49: {  	_ =	shalt  }
0x4a: {  	_ =	shalt  }
0x4b: {  	_ =	shalt  }
0x4c: {  	_ =	shalt  }
0x4d: {  	_ =	shalt  }
0x4e: {  	_ =	shalt  }
0x4f: {  	_ =	shalt  }
0x50: {  	_ =	shalt  }
0x51: {  	_ =	shalt  }
0x52: {  	_ =	shalt  }
0x53: {  	_ =	shalt  }
0x54: {  	_ =	shalt  }
0x55: {  	_ =	shalt  }
0x56: {  	_ =	shalt  }
0x57: {  	_ =	shalt  }
0x58: {  	_ =	shalt  }
0x59: {  	_ =	shalt  }
0x5a: {  	_ =	shalt  }
0x5b: {  	_ =	shalt  }
0x5c: {  	_ =	shalt  }
0x5d: {  	_ =	shalt  }
0x5e: {  	_ =	shalt  }
0x5f: {  	_ =	shalt  }
0x60: {  	_ =	shalt  }
0x61: {  	_ =	shalt  }
0x62: {  	_ =	shalt  }
0x63: {  	_ =	shalt  }
0x64: {  	_ =	shalt  }
0x65: {  	_ =	shalt  }
0x66: {  	_ =	shalt  }
0x67: {  	_ =	shalt  }
0x68: {  	_ =	shalt  }
0x69: {  	_ =	shalt  }
0x6a: {  	_ =	shalt  }
0x6b: {  	_ =	shalt  }
0x6c: {  	_ =	shalt  }
0x6d: {  	_ =	shalt  }
0x6e: {  	_ =	shalt  }
0x6f: {  	_ =	shalt  }
0x70: {  	_ =	shalt  }
0x71: {  	_ =	shalt  }
0x72: {  	_ =	shalt  }
0x73: {  	_ =	shalt  }
0x74: {  	_ =	shalt  }
0x75: {  	_ =	shalt  }
0x76: {  	_ =	shalt  }
0x77: {  	_ =	shalt  }
0x78: {  	_ =	shalt  }
0x79: {  	_ =	shalt  }
0x7a: {  	_ =	shalt  }
0x7b: {  	_ =	shalt  }
0x7c: {  	_ =	shalt  }
0x7d: {  	_ =	shalt  }
0x7e: {  	_ =	shalt  }
0x7f: {  	_ =	shalt  }
0x80: {  	_ =	shalt  }
0x81: {  	_ =	shalt  }
0x82: {  	_ =	shalt  }
0x83: {  	_ =	shalt  }
0x84: {  	_ =	shalt  }
0x85: {  	_ =	shalt  }
0x86: {  	_ =	shalt  }
0x87: {  	_ =	shalt  }
.Lfunc_end0:
.L_simem_size_0:
called_computation.2_lowered:
.L_overlay_start_0:
0x88: {  	s2 =	sld [smem:$0x3FD9]  }
0x89: {  	s3 =	sld [smem:$0x3FFE];
	_ =	sdelay $0x1  }
0x8a: {  	s1 =	srdreg.scid  }
0x8b: {  	s0 =	sand.u32 $0x1, s1  }
0x8c: {  	s17 =	sshll.u32 s0, $0xA;
	s2 =	sadd.s32 s3, s2  }
0x8d: {  	s2 =	sadd.s32 s2, s17  }
0x8e: {  	[smem:$0x3FBF] =	sst s2  }
0x8f: {  	_ = 	snop  }
0x90: {  	s2 =	sld [smem:$0x3FC8];
	(tm) =	ssettm $0x1  }
0x91: {  	s18 =	sld [smem:$0x3FFB];
	_ =	sdelay $0x3  }
0x92: {  	_ =	strace s18  }
0x93: {  	s3 =	sld [smem:$0x3FFC];
	_ =	sdelay $0x3  }
0x94: {  	_ =	strace s3  }
0x95: {  	s3 =	sld [smem:$0x3FFD];
	_ =	sdelay $0x3  }
0x96: {  	_ =	strace s3  }
0x97: {  	_ =	strace $0x8FFFFFFF  }
0x98: {  	s19 =	sld [smem:$0x3FDB];
	_ =	sdelay $0x1  }
0x99: {  	s4 =	simm.s32 $_scs_section_size  }
0x9a: {  	s5 =	simm.s32 $_size__tile_overlayer_lowered;
	s6 =	simm.s32 $_tile_overlayer_lowered  }
0x9b: {  	s22 =	simm.s32 $0x1BFF;
	s21 =	sshll.u32 s6, $0x1;
	s3 =	sadd.s32 s4, s19  }
0x9c: {  	s7 =	simm.s32 $0x0;
	s20 =	sshll.u32 s5, $0x1;
	s5 =	sadd.s32 s21, s3  }
0x9d: {  	[timem:s7], [sflag:s22] =	dma.local [hbm:s5], s20  }
0x9e: {  	_ =	swait.ge [sflag:s22], s20  }
0x9f: {  	s4 =	ssub.s32 $0x0, s20;
	[sflag:s22] =	ssyncset.done $0x0  }
0xa0: {  	[sflag:s22] =	ssyncadd.s32 s4;
	_ =	sdelay $0x1  }
0xa1: {  	s23 =	simm.s32 $0x1B8B  }
0xa2: {  	_ =	swait.ge [sflag:s23], $0x1  }
0xa3: {  	[sflag:s23] =	ssyncset.done $0x0  }
0xa4: {  	s25 =	simm.s32 $0x1B8E;
	s24 =	sld [smem:$0x3FFE];
	[sflag:s23] =	ssyncadd.s32 $0xFFFFFFFF  }
0xa5: {  	s26 =	simm.s32 $execute0_lowered;
	[smem:$0x3FD2] =	sst s25  }
0xa6: {  	s5 =	sshll.u32 s26, $0x1;
	_ =	strace $0x8000004C;
	[dreg:$0x1] =	wrdreg $0xFFFFFFFF  }
0xa7: {  	s28 =	simm.s32 $_size_execute0_lowered;
	s3 =	sadd.s32 s3, s5;
	[dreg:$0x0] =	wrdreg $0x0  }
0xa8: {  	s5 =	sshll.u32 s28, $0x1;
	[dreg:$0x2] =	wrdreg s3  }
0xa9: {  	[dreg:$0x3] =	wrdreg s5  }
0xaa: {  	[dreg:$0x4] =	wrdreg $0xC0  }
0xab: {  	_ =	task [dreg:s7], $0x5FFFF  }
0xac: {  	[dreg:$0x1] =	wrdreg $0xFFFFFFFF  }
0xad: {  	[dreg:$0x0] =	wrdreg $0x60  }
0xae: {  	[dreg:$0x2] =	wrdreg s2  }
0xaf: {  	[dreg:$0x3] =	wrdreg s24  }
0xb0: {  	[dreg:$0x4] =	wrdreg $0xA  }
0xb1: {  	_ =	task.clear_ibuf [dreg:s7], $0x5FFFF;
	_ =	strace $0x9000004C  }
0xb2: {  	s29 =	simm.s32 $0xA;
	_ =	strace $0x8000004E  }
0xb3: {  	_ =	swait.ge [sflag:s29], $0x1  }
0xb4: {  	[sflag:s29] =	ssyncadd.s32 $0xFFFFFFFF  }
0xb5: {  	_ =	strace $0x9000004E  }
0xb6: {  	_ =	sfence  }
0xb7: {  	s30 =	sld [smem:$0x0];
	_ =	sdelay $0x2  }
0xb8: {  	s31 =	sshll.u32 s1, $0xD;
	s1 =	sshrl.u32 s1, $0x2  }
0xb9: {  	s3 =	sand.u32 $0x4000, s31;
	s1 =	sadd.s32 s1, s30  }
0xba: {  	s0 =	sor.u32 s3, s0;
	s1 =	sshll.u32 s1, $0x11  }
0xbb: {  	s0 =	sor.u32 s1, s0  }
0xbc: {  	s0 =	sadd.s32 $0x8F2B, s0  }
0xbd: {  	[sflag:s0] =	ssyncadd.remote.s32 $0x1  }
0xbe: {  	_ =	sfence.sel $0xFFFF  }
0xbf: {  	[dreg:$0x0] =	wrdreg $0xFFFFFFFF;
	(pc) =	sbr.abs _section_cstart, $3  }
0xc0: {  	[dreg:$0x1] =	wrdreg $0xFFFFFFFF  }
0xc1: {  	_ =	task.clear_ibuf [dreg:s7], $0x2FFFF;
	_ =	strace $0x9FFFFFFF  }
0xc2: {  	(tm) =	ssettm $0x7FFFFFFF  }
0xc3: {  	_ =	shalt  }
tec
execute0_lowered:
.L_overlay_start_1:
0x0: {  	(tag) =	ssettag $0x1  }
0x1: {  	s2 =	rddreg [dreg:$0x0];
	s0 =	srdreg.scid  }
0x2: {  	s5 =	rddreg [dreg:$0x1];
	s1 =	stileid.u32;
	s6 =	simm.s32 $0x1  }
0x3: {  	s9 =	simm.s32 $0x1;
	s10 =	simm.s32 $0x3;
	s3 =	sshll.u32 s0, $0x8  }
0x4: {  	s13 =	simm.s32 $0x0;
	s4 =	sshll.u32 s1, $0x9;
	s3 =	sand.u32 $0x100, s3  }
0x5: {  	s0 =	rddreg [dreg:$0x2];
	_ =	strace $0x8000004D;
	s3 =	sor.u32 s4, s3  }
0x6: {  	s12 =	simm.s32 $0x0;
	[sflag:s6] =	ssyncpa.u1 $0x0;
	s8 =	ssub.s32 $0x3000, s3  }
.Ltmp0:
0x7: {  	s4 =	sadd.s32 $0x1C0400, s5;
	s7 =	sand.u32 $0x1F00, s8;
	(pc) =	sbr.rel .LBB2_1-.Ltmp0, $4  }
0x8: {  	s5 =	sadd.s32 $0x1C0A00, s5;
	s11 =	smov.u32 s3;
	p0 =	sne.s32 s7, $0x0  }
0x9: {  	s8 =	sshrl.u32 s8, $0xD;
	s7 =	simm.s32 $0x2;
	s9 =	simm.s32 @!p0 $0x0  }
0xa: {  	[sflag:s7] =	ssyncpa.u1 $0x0;
	p0 =	por $0x0, $0x0;
	s8 =	sadd.s32 s9, s8  }
0xb: {  	vm0 =	vmmov $0xffff;
	[sflag:s10] =	ssyncpa.u1 $0x0;
	s10 =	simm.s32 $0x0;
	s9 =	sadd.s32 $0x1, s8  }
.LBB2_4:
0xc: {  	v2 =	vnsel vm1, $0x0, v2  }
0xd: {  	vm1 =	vgt.s32 v0, $0x0;
	v2 =	vmin.u32 v2, $0x1FFF  }
0xe: {  	v0 =	vnsel vm1, $0x0, v0  }
0xf: {  	v0 =	vmin.u32 v0, $0x1FFF  }
0x10: {  	[tilespmem:s15], [sflag:$0x1] =	stream.indirect_vreg.gather [hbm4b:s2+s10], $0x1, v1, vm0, $0x4038;
	[tilespmem:$0x400] =	vst v63  }
0x11: {  	(ifvalue) =	ssetifvalue $0x7FFFFFFF  }
0x12: {  	[tilespmem:s16], [sflag:$0x1] =	stream.indirect_vreg.gather [hbm4b:s2+s10], $0x1, v2, vm0, $0x4038;
	[tilespmem:$0x400] =	vst v63  }
0x13: {  	s29 =	sadd.s32 $0x10, s16;
	(ifvalue) =	ssetifvalue $0x7FFFFFFF  }
0x14: {  	[tilespmem:s29], [sflag:$0x1] =	stream.indirect_vreg.gather [hbm4b:s2+s10], $0x1, v0, vm0, $0x4038;
	[tilespmem:$0x400] =	vst v63  }
0x15: {  	_ =	swait.ge [sflag:s6], $0x100  }
0x16: {  	s30 =	sshrl.u32 s13, $0x3;
	[sflag:s6] =	ssyncset.done $0x0  }
0x17: {  	s31 =	sand.u32 $0x7, s13;
	s15 =	sadd.s32 s5, s30;
	[sflag:s6] =	ssyncadd.s32 $0xFFFFFF00  }
0x18: {  	[hbm4b:s15+s31] =	stream.linear.scatter [tilespmem:s14], [sflag:$0x3], $0x100, $0x38;
	[tilespmem:$0x400] =	vst v63  }
.LBB2_5:
0x19: {  	s15 =	sadd.s32 $0x2000, s11  }
0x1a: {  	p2 =	sgt.s32 s15, $0x2FFF  }
0x1b: {  	s15 =	smov.u32 @p2 s3;
	p2 =	sne.s32 s12, s9  }
.Ltmp1:
0x1c: {  	p1 =	slt.u32 s12, $0x2;
	(pc) =	sbr.rel @!p2 .LBB2_6-.Ltmp1, $4  }
0x1d: {  	s14 =	simm.s32 @!p1 $0x3  }
0x1e: {  	s16 =	sadd.s32 $0x1, s12;
	_ =	swait.ge @!p1 [sflag:s14], $0x100  }
0x1f: {  	s13 =	smov.u32 s11;
	p0 =	por !p0, !p0;
	[sflag:s14] =	ssyncset.done @!p1 $0x0  }
0x20: {  	s12 =	smov.u32 s16;
	s11 =	smov.u32 s15;
	[sflag:s14] =	ssyncadd.s32 @!p1 $0xFFFFFF00  }
.LBB2_1:
0x21: {  	p1 =	sge.u32 s12, s8  }
0x22: {  	s14 =	sxor.u32 @!p1 $0xFFFFFFFF, s12  }
0x23: {  	s31 =	sadd.s32 $0xFFFFFFFF, s12;
	s15 =	sshrl.u32 @!p1 s11, $0x3;
	s14 =	sshll.u32 @!p1 s14, $0x8  }
0x24: {  	s16 =	sand.u32 @!p1 $0x7, s11;
	s15 =	sadd.s32 @!p1 s4, s15;
	s14 =	sand.u32 @!p1 $0x100, s14  }
0x25: {  	[tilespmem:s14], [sflag:$0x2] =	stream.linear.gather @!p1 [hbm4b:s15+s16], $0x100, $0x38;
	[tilespmem:$0x400] =	vst v63  }
0x26: {  	p1 =	sge.u32 s31, s8  }
.Ltmp2:
0x27: {  	_ = 	snop;
	(pc) =	sbr.rel @p1 .LBB2_5-.Ltmp2, $1  }
0x28: {  	_ =	sdelay $0x3  }
0x29: {  	s14 =	simm.s32 $0x1  }
0x2a: {  	_ =	swait.ge [sflag:s7], $0x100;
	s14 =	simm.s32 @!p0 $0x0  }
0x2b: {  	[sflag:s7] =	ssyncset.done $0x0;
	s14 =	sshll.u32 s14, $0x8  }
0x2c: {  	[sflag:s7] =	ssyncadd.s32 $0xFFFFFF00;
	(ifvalue) =	ssetifvalue $0x7FFFFFFF;
	v0 =	vld.msk [tilespmem:s14+$0x0 ss:$0x1], $0xffff;
	_ =	sdelay $0x4  }
0x2d: {  	s15 =	sadd.s32 $0x10, s14;
	vm1 =	vgt.s32 v0, $0x0  }
0x2e: {  	v2 =	vld.msk [tilespmem:s15+$0x0 ss:$0x1], $0xffff;
	v1 =	vnsel vm1, $0x0, v0  }
0x2f: {  	v1 =	vmin.u32 v1, $0x1FFF;
	_ =	sdelay $0x1  }
0x30: {  	s16 =	sshll.u32 s12, $0x8;
	s18 =	simm.s32 $0x20  }
0x31: {  	s16 =	sand.u32 $0x100, s16;
	s17 =	sadd.s32 $0x10, s15;
	s15 =	sor.u32 $0x200, s14  }
0x32: {  	s14 =	sor.u32 $0x200, s16;
	s16 =	sadd.s32 $0x10, s15;
	v0 =	vld.msk [tilespmem:s17+$0x0 ss:$0x1], $0xffff;
	vm1 =	vgt.s32 v2, $0x0;
	(ifvalue) =	ssetifvalue $0x7FFFFFFF  }
.LBB2_3:
0x33: {  	[tilespmem:s15], [sflag:$0x1] =	stream.indirect_vreg.gather [hbm4b:s2+s10], $0x1, v1, vm0, $0x4038;
	[tilespmem:$0x400] =	vst v63  }
0x34: {  	s18 =	sadd.s32 $0x10, s18  }
0x35: {  	v2 =	vnsel vm1, $0x0, v2;
	p1 =	slt.u32 s18, $0xF0  }
.Ltmp3:
0x36: {  	s15 =	smov.u32 s16;
	v1 =	vmin.u32 v2, $0x1FFF;
	(pc) =	sbr.rel @p1 .LBB2_3-.Ltmp3, $3  }
0x37: {  	_ =	sdelay $0x1  }
0x38: {  	s17 =	sadd.s32 $0x10, s17  }
0x39: {  	vm1 =	vgt.s32 v0, $0x0;
	s16 =	sadd.s32 $0x10, s16;
	v2 =	vmov v0;
	(ifvalue) =	ssetifvalue $0x7FFFFFFF;
	v0 =	vld.msk [tilespmem:s17+$0x0 ss:$0x1], $0xffff  }
.Ltmp4:
0x3a: {  	_ = 	snop;
	(pc) =	sbr.rel .LBB2_4-.Ltmp4, $1  }
0x3b: {  	_ =	sdelay $0x3  }
.LBB2_6:
0x3c: {  	_ =	sfence.sel $0x180000  }
0x3d: {  	s2 =	simm.s32 $0x2;
	[bflag:$0x0] =	sbarrier.arrive $0xFFFF  }
0x3e: {  	s30 =	simm.s32 $0x3;
	[sflag:s2] =	ssyncpa.u1 $0x1  }
0x3f: {  	s31 =	simm.s32 $0x1;
	[sflag:s30] =	ssyncpa.u1 $0x1  }
0x40: {  	[sflag:s31] =	ssyncpa.u1 $0x1  }
0x41: {  	p0 =	sne.s32 s1, $0x0;
	_ =	strace $0x9000004D  }
0x42: {  	s0 =	sadd.s32 @!p0 $0x100000, s0;
	[bflag:$0x2] =	sbarrier.arrive $0xFFFF  }
0x43: {  	[sflag:s0] =	ssyncadd.tile.s32 @!p0 $0x1;
	_ =	shalt  }
.Lfunc_end2:
_tile_overlayer_lowered:
.L_overlay_start_2:
0x44: {  	(tag) =	ssettag $0x2  }
0x45: {  	s0 =	rddreg [dreg:$0x0];
	s2 =	stileid.u32  }
0x46: {  	s1 =	rddreg [dreg:$0x1];
	p0 =	sne.s32 s2, $0x0  }
0x47: {  	s3 =	rddreg [dreg:$0x2];
	[bflag:$0x3] =	sbarrier.arrive $0xFFFF;
	s2 =	simm.s32 @!p0 $0x1C01  }
0x48: {  	[timem:s3], [sflag:s2] =	dma.local @!p0 [hbm:s0], s1  }
0x49: {  	s0 =	simm.s32 @!p0 $0x1  }
0x4a: {  	_ =	swait.ge @!p0 [sflag:s0], s1  }
0x4b: {  	s1 =	ssub.s32 @!p0 $0x0, s1;
	[sflag:s0] =	ssyncset.done @!p0 $0x0  }
0x4c: {  	[sflag:s0] =	ssyncadd.s32 @!p0 s1  }
0x4d: {  	[bflag:$0x3] =	sbarrier.arrive $0xFFFF  }
0x4e: {  	_ =	shalt  }

// kernel: kernel.8.cloned.1.call-start
scs
__scs_entry_jumppad:
0x0: {  	(pc) =	sbr.rel $0x88, $3  }
0x1: {  	(tag) =	ssettag $0x0;
	lr =	simm.s32 $0x1  }
0x2: {  	[smem:$0x3F98] =	sst lr;
	_ =	strace $0xD0000000  }
0x3: {  	_ = 	snop  }
0x4: {  	_ = 	snop  }
0x5: {  	_ = 	snop  }
0x6: {  	_ = 	snop  }
0x7: {  	_ = 	snop  }
__scs_overlays_trampoline_lowered:
0x8: {  	[smem:$0x3FA7] =	sst s0  }
0x9: {  	[smem:$0x3FA8] =	sst s1  }
0xa: {  	[smem:$0x3FA9] =	sst s2  }
0xb: {  	[smem:$0x3FAA] =	sst s3  }
0xc: {  	[smem:$0x3FAB] =	sst s4  }
0xd: {  	[smem:$0x3FAC] =	sst s5  }
0xe: {  	[smem:$0x3FAD] =	sst s6  }
0xf: {  	[smem:$0x3FAE] =	sst s7  }
0x10: {  	[smem:$0x3FAF] =	sst s8  }
0x11: {  	[smem:$0x3FB0] =	sst s9;
	s0 =	simm.s32 @!p0 $0x0  }
0x12: {  	s1 =	sld [smem:$0x3F96];
	s0 =	simm.s32 @p0 $0x1  }
0x13: {  	[smem:$0x3FB1] =	sst s0;
	s0 =	simm.s32 @!p1 $0x0  }
0x14: {  	s2 =	sld [smem:$0x3F95];
	s0 =	simm.s32 @p1 $0x1  }
0x15: {  	[smem:$0x3FB2] =	sst s0;
	s0 =	simm.s32 @!p2 $0x0  }
0x16: {  	s3 =	sld [smem:$0x3FDB];
	s0 =	simm.s32 @p2 $0x1  }
0x17: {  	s4 =	simm.s32 $0x1BF5;
	[smem:$0x3FB4] =	sst s0  }
0x18: {  	s0 =	sld [smem:$0x3F97];
	_ =	swait.ge [sflag:s4], $0x0  }
0x19: {  	s7 =	sld [smem:$0x3F98]  }
0x1a: {  	s8 =	sadd.s32 $0xFFFFE003, lr  }
0x1b: {  	s9 =	sadd.s32 $0xFFFFFEF7, lr;
	s5 =	simm.s32 $0xFFFFFFFF;
	p2 =	slt.u32 s8, $0xFFFFF086  }
0x1c: {  	p1 =	slt.u32 s9, $0xF7A;
	s5 =	simm.s32 @!p2 $0x0  }
0x1d: {  	s5 =	simm.s32 @p1 $0x1;
	p0 =	seq.s32 s7, s2  }
0x1e: {  	s7 =	smul.u32 @!p0 $0xF7A, s2;
	p2 =	seq.s32 @!p0 s5, $0x0  }
0x1f: {  	s9 =	smul.u32 $0xF7A, s1;
	s8 =	simm.s32 @!p0 $0x1BF5;
	p2 =	por !p2, p0  }
0x20: {  	[sflag:s8] =	ssyncset.s32 @!p0 $0xFFFFF086;
	s6 =	sadd.s32 @!p0 s3, s7;
	s7 =	simm.s32 @!p0 $0x108  }
0x21: {  	s3 =	sadd.s32 s3, s9;
	s6 =	sadd.s32 @!p0 $0x88, s6;
	s7 =	simm.s32 @p2 $0x1082  }
0x22: {  	[simem:s7], [sflag:s8] =	dma.local @!p0 [hbm:s6], $0xF7A  }
0x23: {  	s9 =	sor.u32 $0xD0000000, s2;
	s6 =	simm.s32 $0x108;
	_ =	swait.ge @!p0 [sflag:s8], $0x0  }
0x24: {  	s3 =	sadd.s32 $0x88, s3;
	s6 =	simm.s32 @!p1 $0x1082;
	[sflag:s4] =	ssyncset.s32 $0xFFFFF086  }
0x25: {  	[simem:s6], [sflag:s4] =	dma.local [hbm:s3], $0xF7A  }
0x26: {  	[smem:$0x3F98] =	sst s1;
	(tag) =	ssettag s2;
	_ =	strace s9  }
0x27: {  	s1 =	sld [smem:$0x3FA8]  }
0x28: {  	s2 =	sld [smem:$0x3FA9]  }
0x29: {  	s4 =	sld [smem:$0x3FAB]  }
0x2a: {  	p0 =	seq.s32 s5, $0x0;
	s5 =	sld [smem:$0x3FAC]  }
0x2b: {  	s6 =	sld [smem:$0x3FAD]  }
0x2c: {  	s7 =	sld [smem:$0x3FAE]  }
0x2d: {  	s3 =	simm.s32 $0x108;
	s8 =	sld [smem:$0x3FAF]  }
0x2e: {  	s3 =	simm.s32 @!p0 $0x1082;
	s9 =	sld [smem:$0x3FB0]  }
0x2f: {  	lr =	sadd.s32 s0, s3;
	s0 =	sld [smem:$0x3FA7]  }
0x30: {  	s3 =	sld [smem:$0x3FAA]  }
0x31: {  	[smem:$0x3FB3] =	sst s10  }
0x32: {  	s10 =	sld [smem:$0x3FB1];
	_ =	sdelay $0x3  }
0x33: {  	p0 =	seq.s32 s10, $0x1;
	s10 =	sld [smem:$0x3FB3];
	_ =	sdelay $0x3  }
0x34: {  	[smem:$0x3FB3] =	sst s10  }
0x35: {  	s10 =	sld [smem:$0x3FB2];
	_ =	sdelay $0x3  }
0x36: {  	p1 =	seq.s32 s10, $0x1;
	s10 =	sld [smem:$0x3FB3];
	_ =	sdelay $0x3  }
0x37: {  	[smem:$0x3FB3] =	sst s10  }
0x38: {  	s10 =	sld [smem:$0x3FB4]  }
0x39: {  	_ = 	snop;
	(pc) =	sbr.ind lr, $3  }
0x3a: {  	_ = 	snop  }
0x3b: {  	_ = 	snop  }
0x3c: {  	p2 =	seq.s32 s10, $0x1;
	s10 =	sld [smem:$0x3FB3]  }
0x3d: {  	_ =	shalt  }
0x3e: {  	_ =	shalt  }
0x3f: {  	_ =	shalt  }
0x40: {  	_ =	shalt  }
0x41: {  	_ =	shalt  }
0x42: {  	_ =	shalt  }
0x43: {  	_ =	shalt  }
0x44: {  	_ =	shalt  }
0x45: {  	_ =	shalt  }
0x46: {  	_ =	shalt  }
0x47: {  	_ =	shalt  }
0x48: {  	_ =	shalt  }
0x49: {  	_ =	shalt  }
0x4a: {  	_ =	shalt  }
0x4b: {  	_ =	shalt  }
0x4c: {  	_ =	shalt  }
0x4d: {  	_ =	shalt  }
0x4e: {  	_ =	shalt  }
0x4f: {  	_ =	shalt  }
0x50: {  	_ =	shalt  }
0x51: {  	_ =	shalt  }
0x52: {  	_ =	shalt  }
0x53: {  	_ =	shalt  }
0x54: {  	_ =	shalt  }
0x55: {  	_ =	shalt  }
0x56: {  	_ =	shalt  }
0x57: {  	_ =	shalt  }
0x58: {  	_ =	shalt  }
0x59: {  	_ =	shalt  }
0x5a: {  	_ =	shalt  }
0x5b: {  	_ =	shalt  }
0x5c: {  	_ =	shalt  }
0x5d: {  	_ =	shalt  }
0x5e: {  	_ =	shalt  }
0x5f: {  	_ =	shalt  }
0x60: {  	_ =	shalt  }
0x61: {  	_ =	shalt  }
0x62: {  	_ =	shalt  }
0x63: {  	_ =	shalt  }
0x64: {  	_ =	shalt  }
0x65: {  	_ =	shalt  }
0x66: {  	_ =	shalt  }
0x67: {  	_ =	shalt  }
0x68: {  	_ =	shalt  }
0x69: {  	_ =	shalt  }
0x6a: {  	_ =	shalt  }
0x6b: {  	_ =	shalt  }
0x6c: {  	_ =	shalt  }
0x6d: {  	_ =	shalt  }
0x6e: {  	_ =	shalt  }
0x6f: {  	_ =	shalt  }
0x70: {  	_ =	shalt  }
0x71: {  	_ =	shalt  }
0x72: {  	_ =	shalt  }
0x73: {  	_ =	shalt  }
0x74: {  	_ =	shalt  }
0x75: {  	_ =	shalt  }
0x76: {  	_ =	shalt  }
0x77: {  	_ =	shalt  }
0x78: {  	_ =	shalt  }
0x79: {  	_ =	shalt  }
0x7a: {  	_ =	shalt  }
0x7b: {  	_ =	shalt  }
0x7c: {  	_ =	shalt  }
0x7d: {  	_ =	shalt  }
0x7e: {  	_ =	shalt  }
0x7f: {  	_ =	shalt  }
0x80: {  	_ =	shalt  }
0x81: {  	_ =	shalt  }
0x82: {  	_ =	shalt  }
0x83: {  	_ =	shalt  }
0x84: {  	_ =	shalt  }
0x85: {  	_ =	shalt  }
0x86: {  	_ =	shalt  }
0x87: {  	_ =	shalt  }
.Lfunc_end0:
.L_simem_size_0:
called_computation.4_lowered:
.L_overlay_start_0:
0x88: {  	s2 =	sld [smem:$0x3FD9]  }
0x89: {  	s3 =	sld [smem:$0x3FFE];
	_ =	sdelay $0x1  }
0x8a: {  	s1 =	srdreg.scid  }
0x8b: {  	s0 =	sand.u32 $0x1, s1  }
0x8c: {  	s16 =	sshll.u32 s0, $0xA;
	s2 =	sadd.s32 s3, s2  }
0x8d: {  	s2 =	sadd.s32 s2, s16  }
0x8e: {  	[smem:$0x3FBF] =	sst s2  }
0x8f: {  	_ = 	snop  }
0x90: {  	(tm) =	ssettm $0x1  }
0x91: {  	s17 =	sld [smem:$0x3FFB];
	_ =	sdelay $0x3  }
0x92: {  	_ =	strace s17  }
0x93: {  	s2 =	sld [smem:$0x3FFC];
	_ =	sdelay $0x3  }
0x94: {  	_ =	strace s2  }
0x95: {  	s2 =	sld [smem:$0x3FFD];
	_ =	sdelay $0x3  }
0x96: {  	_ =	strace s2  }
0x97: {  	_ =	strace $0x8FFFFFFF  }
0x98: {  	s18 =	sld [smem:$0x3FDB];
	_ =	sdelay $0x1  }
0x99: {  	s19 =	simm.s32 $_scs_section_size  }
0x9a: {  	s4 =	simm.s32 $_size__tile_overlayer_lowered;
	s5 =	simm.s32 $_tile_overlayer_lowered  }
0x9b: {  	s22 =	simm.s32 $0x1BFF;
	s21 =	sshll.u32 s5, $0x1;
	s2 =	sadd.s32 s19, s18  }
0x9c: {  	s6 =	simm.s32 $0x0;
	s20 =	sshll.u32 s4, $0x1;
	s4 =	sadd.s32 s21, s2  }
0x9d: {  	[timem:s6], [sflag:s22] =	dma.local [hbm:s4], s20  }
0x9e: {  	_ =	swait.ge [sflag:s22], s20  }
0x9f: {  	s3 =	ssub.s32 $0x0, s20;
	[sflag:s22] =	ssyncset.done $0x0  }
0xa0: {  	[sflag:s22] =	ssyncadd.s32 s3;
	_ =	sdelay $0x1  }
0xa1: {  	s23 =	simm.s32 $0x1B8B  }
0xa2: {  	_ =	swait.ge [sflag:s23], $0x1  }
0xa3: {  	[sflag:s23] =	ssyncset.done $0x0  }
0xa4: {  	s25 =	simm.s32 $0x1B8E;
	s24 =	sld [smem:$0x3FFE];
	[sflag:s23] =	ssyncadd.s32 $0xFFFFFFFF  }
0xa5: {  	s26 =	simm.s32 $execute0_lowered;
	[smem:$0x3FD2] =	sst s25  }
0xa6: {  	s4 =	sshll.u32 s26, $0x1;
	_ =	strace $0x80000049;
	[dreg:$0x1] =	wrdreg $0xFFFFFFFF  }
0xa7: {  	s28 =	simm.s32 $_size_execute0_lowered;
	s2 =	sadd.s32 s2, s4;
	[dreg:$0x0] =	wrdreg $0x0  }
0xa8: {  	s4 =	sshll.u32 s28, $0x1;
	[dreg:$0x2] =	wrdreg s2  }
0xa9: {  	[dreg:$0x3] =	wrdreg s4  }
0xaa: {  	[dreg:$0x4] =	wrdreg $0xC0  }
0xab: {  	_ =	task [dreg:s6], $0x5FFFF  }
0xac: {  	[dreg:$0x1] =	wrdreg $0xFFFFFFFF  }
0xad: {  	[dreg:$0x0] =	wrdreg $0x60  }
0xae: {  	[dreg:$0x2] =	wrdreg s24  }
0xaf: {  	[dreg:$0x3] =	wrdreg $0x9  }
0xb0: {  	_ =	task.clear_ibuf [dreg:s6], $0x4FFFF;
	_ =	strace $0x90000049  }
0xb1: {  	s29 =	simm.s32 $0x9;
	_ =	strace $0x8000004B  }
0xb2: {  	_ =	swait.ge [sflag:s29], $0x1  }
0xb3: {  	[sflag:s29] =	ssyncadd.s32 $0xFFFFFFFF  }
0xb4: {  	_ =	strace $0x9000004B  }
0xb5: {  	_ =	sfence  }
0xb6: {  	s30 =	sld [smem:$0x0];
	_ =	sdelay $0x2  }
0xb7: {  	s31 =	sshll.u32 s1, $0xD;
	s1 =	sshrl.u32 s1, $0x2  }
0xb8: {  	s3 =	sand.u32 $0x4000, s31;
	s1 =	sadd.s32 s1, s30  }
0xb9: {  	s0 =	sor.u32 s3, s0;
	s1 =	sshll.u32 s1, $0x11  }
0xba: {  	s0 =	sor.u32 s1, s0  }
0xbb: {  	s0 =	sadd.s32 $0x8F2B, s0  }
0xbc: {  	[sflag:s0] =	ssyncadd.remote.s32 $0x1  }
0xbd: {  	_ =	sfence.sel $0xFFFF  }
0xbe: {  	[dreg:$0x0] =	wrdreg $0xFFFFFFFF;
	(pc) =	sbr.abs _section_cstart, $3  }
0xbf: {  	[dreg:$0x1] =	wrdreg $0xFFFFFFFF  }
0xc0: {  	_ =	task.clear_ibuf [dreg:s6], $0x2FFFF;
	_ =	strace $0x9FFFFFFF  }
0xc1: {  	(tm) =	ssettm $0x7FFFFFFF  }
tec
execute0_lowered:
.L_overlay_start_1:
0x0: {  	(tag) =	ssettag $0x1  }
0x1: {  	s0 =	srdreg.scid;
	s2 =	stileid.u32  }
0x2: {  	s1 =	rddreg [dreg:$0x0];
	s14 =	simm.s32 $0x1;
	s16 =	simm.s32 $0x880  }
0x3: {  	s17 =	simm.s32 $0x1080;
	s18 =	simm.s32 $0x1880;
	s19 =	simm.s32 $0x2080  }
0x4: {  	s20 =	simm.s32 $0x2880;
	s21 =	simm.s32 $0x3080;
	s28 =	simm.s32 $0x6080  }
0x5: {  	s29 =	simm.s32 $0x6880;
	s30 =	simm.s32 $0x7080;
	s31 =	simm.s32 $0x7880  }
0x6: {  	s10 =	simm.s32 $0xA080;
	s11 =	simm.s32 $0xA880;
	s12 =	simm.s32 $0xB080  }
0x7: {  	s13 =	simm.s32 $0xB880;
	s0 =	sand.u32 $0x1, s0;
	s3 =	sshll.u32 s2, $0x1  }
0x8: {  	s2 =	simm.s32 $0x0;
	s6 =	sadd.s32 $0x202000, s1;
	s4 =	sor.u32 s0, s3  }
0x9: {  	s8 =	sadd.s32 $0x100400, s1;
	s0 =	ssub.s32 $0x2, s0;
	s5 =	smul.u32 $0x180, s4  }
0xa: {  	[smem:$0x7FF] =	sst s2;
	s4 =	smul.u32 $0x6000, s4;
	s9 =	sshrl.u32 s0, $0x1  }
0xb: {  	s3 =	sadd.s32 $0x80400, s1;
	_ =	strace $0x8000004A;
	s0 =	ssub.s32 s0, s9  }
0xc: {  	s9 =	simm.s32 $0x9880;
	s7 =	sshrl.u32 s5, $0x3;
	s4 =	sadd.s32 s8, s4  }
0xd: {  	s22 =	sadd.s32 $0x80, s5;
	s5 =	sadd.s32 $0x100, s5;
	s7 =	sadd.s32 s6, s7  }
0xe: {  	[dreg:$0x3] =	wrdreg s4;
	s23 =	sshrl.u32 s22, $0x3;
	s25 =	sshrl.u32 s5, $0x3  }
0xf: {  	s5 =	sshll.u32 s5, $0x6;
	[dreg:$0x2] =	wrdreg s7;
	s4 =	sadd.s32 s6, s23  }
0x10: {  	s7 =	sshll.u32 s22, $0x6;
	s6 =	sadd.s32 s6, s25;
	s26 =	sadd.s32 s8, s5  }
0x11: {  	s5 =	smax.u32 s0, $0x1;
	s0 =	simm.s32 $0x80;
	s22 =	simm.s32 $0x3880  }
0x12: {  	s23 =	simm.s32 $0x4080;
	s25 =	simm.s32 $0x5080;
	[dreg:$0x4] =	wrdreg s4  }
0x13: {  	v2 =	vlaneseq.u32;
	s24 =	sadd.s32 s8, s7;
	s4 =	sadd.s32 $0x80500, s1;
	[dreg:$0x6] =	wrdreg s6  }
0x14: {  	vm0 =	vmmov $0xffff;
	v1 =	vshrl.u32 v2, $0x3;
	[dreg:$0x7] =	wrdreg s26;
	s6 =	simm.s32 $0x2;
	s26 =	simm.s32 $0x5880  }
0x15: {  	v0 =	vand.u32 $0x7, v2;
	v2 =	vor.u32 $0x8, v2;
	v1 =	vmul.u32 $0x8, v1;
	s8 =	simm.s32 $0x9080;
	[dreg:$0x5] =	wrdreg s24;
	s24 =	simm.s32 $0x4880  }
.LBB2_1:
0x16: {  	s15 =	rddreg [dreg:$0x2]  }
0x17: {  	[tilespmem:s2], [sflag:$0x2] =	stream.linear.gather [hbm4b:s15+s2], $0x80, $0x38;
	[tilespmem:$0x10080] =	vst v63  }
0x18: {  	_ =	swait.ge [sflag:s6], $0x80  }
0x19: {  	[sflag:s6] =	ssyncset.done $0x0  }
0x1a: {  	[sflag:s6] =	ssyncadd.s32 $0xFFFFFF80  }
0x1b: {  	v3 =	vld [tilespmem:$0x0];
	_ =	sdelay $0x4  }
0x1c: {  	v4 =	vshll.u32 v3, $0x2  }
0x1d: {  	v3 =	vand.u32 $0x7, v3;
	v4 =	vand.u32 $0xFFFFFFE0, v4  }
0x1e: {  	v3 =	vor.u32 v3, v4  }
0x1f: {  	v4 =	vperm.xlane v3, v0;
	_ =	sdelay $0x1  }
0x20: {  	v4 =	vadd.s32 v1, v4;
	_ =	sdelay $0x1  }
0x21: {  	v3 =	vperm.xlane v3, v2;
	_ =	sdelay $0x1  }
0x22: {  	v3 =	vadd.s32 v1, v3  }
0x23: {  	[tilespmem:s0], [sflag:$0x1] =	stream.indirect_vreg.gather [hbm4b:s3+s2], $0x80, v4, vm0, $0xb8;
	[tilespmem:$0x10080] =	vst v63  }
0x24: {  	_ = 	snop  }
0x25: {  	[tilespmem:s16], [sflag:$0x1] =	stream.indirect_vreg.gather [hbm4b:s4+s2], $0x80, v4, vm0, $0xb8;
	[tilespmem:$0x10080] =	vst v63  }
0x26: {  	_ = 	snop  }
0x27: {  	[tilespmem:s17], [sflag:$0x1] =	stream.indirect_vreg.gather [hbm4b:s3+s2], $0x80, v3, vm0, $0xb8;
	[tilespmem:$0x10080] =	vst v63  }
0x28: {  	_ = 	snop  }
0x29: {  	[tilespmem:s18], [sflag:$0x1] =	stream.indirect_vreg.gather [hbm4b:s4+s2], $0x80, v3, vm0, $0xb8;
	[tilespmem:$0x10080] =	vst v63  }
0x2a: {  	v3 =	vld [tilespmem:$0x10];
	_ =	sdelay $0x4  }
0x2b: {  	v41 =	vshll.u32 v3, $0x2  }
0x2c: {  	v3 =	vand.u32 $0x7, v3;
	v4 =	vand.u32 $0xFFFFFFE0, v41  }
0x2d: {  	v3 =	vor.u32 v3, v4  }
0x2e: {  	v4 =	vperm.xlane v3, v0;
	_ =	sdelay $0x1  }
0x2f: {  	v4 =	vadd.s32 v1, v4;
	_ =	sdelay $0x1  }
0x30: {  	v3 =	vperm.xlane v3, v2;
	_ =	sdelay $0x1  }
0x31: {  	v3 =	vadd.s32 v1, v3  }
0x32: {  	[tilespmem:s19], [sflag:$0x1] =	stream.indirect_vreg.gather [hbm4b:s3+s2], $0x80, v4, vm0, $0xb8;
	[tilespmem:$0x10080] =	vst v63  }
0x33: {  	_ = 	snop  }
0x34: {  	[tilespmem:s20], [sflag:$0x1] =	stream.indirect_vreg.gather [hbm4b:s4+s2], $0x80, v4, vm0, $0xb8;
	[tilespmem:$0x10080] =	vst v63  }
0x35: {  	_ = 	snop  }
0x36: {  	[tilespmem:s21], [sflag:$0x1] =	stream.indirect_vreg.gather [hbm4b:s3+s2], $0x80, v3, vm0, $0xb8;
	[tilespmem:$0x10080] =	vst v63  }
0x37: {  	_ = 	snop  }
0x38: {  	[tilespmem:s22], [sflag:$0x1] =	stream.indirect_vreg.gather [hbm4b:s4+s2], $0x80, v3, vm0, $0xb8;
	[tilespmem:$0x10080] =	vst v63  }
0x39: {  	v3 =	vld [tilespmem:$0x20];
	_ =	sdelay $0x4  }
0x3a: {  	v42 =	vshll.u32 v3, $0x2  }
0x3b: {  	v3 =	vand.u32 $0x7, v3;
	v4 =	vand.u32 $0xFFFFFFE0, v42  }
0x3c: {  	v3 =	vor.u32 v3, v4  }
0x3d: {  	v4 =	vperm.xlane v3, v0;
	_ =	sdelay $0x1  }
0x3e: {  	v4 =	vadd.s32 v1, v4;
	_ =	sdelay $0x1  }
0x3f: {  	v3 =	vperm.xlane v3, v2;
	_ =	sdelay $0x1  }
0x40: {  	v3 =	vadd.s32 v1, v3  }
0x41: {  	[tilespmem:s23], [sflag:$0x1] =	stream.indirect_vreg.gather [hbm4b:s3+s2], $0x80, v4, vm0, $0xb8;
	[tilespmem:$0x10080] =	vst v63  }
0x42: {  	_ = 	snop  }
0x43: {  	[tilespmem:s24], [sflag:$0x1] =	stream.indirect_vreg.gather [hbm4b:s4+s2], $0x80, v4, vm0, $0xb8;
	[tilespmem:$0x10080] =	vst v63  }
0x44: {  	_ = 	snop  }
0x45: {  	[tilespmem:s25], [sflag:$0x1] =	stream.indirect_vreg.gather [hbm4b:s3+s2], $0x80, v3, vm0, $0xb8;
	[tilespmem:$0x10080] =	vst v63  }
0x46: {  	_ = 	snop  }
0x47: {  	[tilespmem:s26], [sflag:$0x1] =	stream.indirect_vreg.gather [hbm4b:s4+s2], $0x80, v3, vm0, $0xb8;
	[tilespmem:$0x10080] =	vst v63  }
0x48: {  	v3 =	vld [tilespmem:$0x30];
	_ =	sdelay $0x4  }
0x49: {  	v43 =	vshll.u32 v3, $0x2  }
0x4a: {  	v3 =	vand.u32 $0x7, v3;
	v4 =	vand.u32 $0xFFFFFFE0, v43  }
0x4b: {  	v3 =	vor.u32 v3, v4  }
0x4c: {  	v4 =	vperm.xlane v3, v0;
	_ =	sdelay $0x1  }
0x4d: {  	v4 =	vadd.s32 v1, v4;
	_ =	sdelay $0x1  }
0x4e: {  	v3 =	vperm.xlane v3, v2;
	_ =	sdelay $0x1  }
0x4f: {  	v3 =	vadd.s32 v1, v3  }
0x50: {  	[tilespmem:s28], [sflag:$0x1] =	stream.indirect_vreg.gather [hbm4b:s3+s2], $0x80, v4, vm0, $0xb8;
	[tilespmem:$0x10080] =	vst v63  }
0x51: {  	_ = 	snop  }
0x52: {  	[tilespmem:s29], [sflag:$0x1] =	stream.indirect_vreg.gather [hbm4b:s4+s2], $0x80, v4, vm0, $0xb8;
	[tilespmem:$0x10080] =	vst v63  }
0x53: {  	_ = 	snop  }
0x54: {  	[tilespmem:s30], [sflag:$0x1] =	stream.indirect_vreg.gather [hbm4b:s3+s2], $0x80, v3, vm0, $0xb8;
	[tilespmem:$0x10080] =	vst v63  }
0x55: {  	_ = 	snop  }
0x56: {  	[tilespmem:s31], [sflag:$0x1] =	stream.indirect_vreg.gather [hbm4b:s4+s2], $0x80, v3, vm0, $0xb8;
	[tilespmem:$0x10080] =	vst v63  }
0x57: {  	v3 =	vld [tilespmem:$0x40];
	_ =	sdelay $0x4  }
0x58: {  	v44 =	vshll.u32 v3, $0x2  }
0x59: {  	v3 =	vand.u32 $0x7, v3;
	v4 =	vand.u32 $0xFFFFFFE0, v44  }
0x5a: {  	v3 =	vor.u32 v3, v4  }
0x5b: {  	v4 =	vperm.xlane v3, v0;
	_ =	sdelay $0x1  }
0x5c: {  	v4 =	vadd.s32 v1, v4;
	_ =	sdelay $0x1  }
0x5d: {  	v3 =	vperm.xlane v3, v2;
	_ =	sdelay $0x1  }
0x5e: {  	s1 =	simm.s32 $0x8080;
	v3 =	vadd.s32 v1, v3  }
0x5f: {  	[tilespmem:s1], [sflag:$0x1] =	stream.indirect_vreg.gather [hbm4b:s3+s2], $0x80, v4, vm0, $0xb8;
	[tilespmem:$0x10080] =	vst v63  }
0x60: {  	s7 =	simm.s32 $0x8880  }
0x61: {  	[tilespmem:s7], [sflag:$0x1] =	stream.indirect_vreg.gather [hbm4b:s4+s2], $0x80, v4, vm0, $0xb8;
	[tilespmem:$0x10080] =	vst v63  }
0x62: {  	_ = 	snop  }
0x63: {  	[tilespmem:s8], [sflag:$0x1] =	stream.indirect_vreg.gather [hbm4b:s3+s2], $0x80, v3, vm0, $0xb8;
	[tilespmem:$0x10080] =	vst v63  }
0x64: {  	_ = 	snop  }
0x65: {  	[tilespmem:s9], [sflag:$0x1] =	stream.indirect_vreg.gather [hbm4b:s4+s2], $0x80, v3, vm0, $0xb8;
	[tilespmem:$0x10080] =	vst v63  }
0x66: {  	v3 =	vld [tilespmem:$0x50];
	_ =	sdelay $0x4  }
0x67: {  	v45 =	vshll.u32 v3, $0x2  }
0x68: {  	v3 =	vand.u32 $0x7, v3;
	v4 =	vand.u32 $0xFFFFFFE0, v45  }
0x69: {  	v3 =	vor.u32 v3, v4  }
0x6a: {  	v4 =	vperm.xlane v3, v0;
	_ =	sdelay $0x1  }
0x6b: {  	v4 =	vadd.s32 v1, v4;
	_ =	sdelay $0x1  }
0x6c: {  	v3 =	vperm.xlane v3, v2;
	_ =	sdelay $0x1  }
0x6d: {  	v3 =	vadd.s32 v1, v3  }
0x6e: {  	[tilespmem:s10], [sflag:$0x1] =	stream.indirect_vreg.gather [hbm4b:s3+s2], $0x80, v4, vm0, $0xb8;
	[tilespmem:$0x10080] =	vst v63  }
0x6f: {  	_ = 	snop  }
0x70: {  	[tilespmem:s11], [sflag:$0x1] =	stream.indirect_vreg.gather [hbm4b:s4+s2], $0x80, v4, vm0, $0xb8;
	[tilespmem:$0x10080] =	vst v63  }
0x71: {  	_ = 	snop  }
0x72: {  	[tilespmem:s12], [sflag:$0x1] =	stream.indirect_vreg.gather [hbm4b:s3+s2], $0x80, v3, vm0, $0xb8;
	[tilespmem:$0x10080] =	vst v63  }
0x73: {  	_ = 	snop  }
0x74: {  	[tilespmem:s13], [sflag:$0x1] =	stream.indirect_vreg.gather [hbm4b:s4+s2], $0x80, v3, vm0, $0xb8;
	[tilespmem:$0x10080] =	vst v63  }
0x75: {  	v3 =	vld [tilespmem:$0x60];
	_ =	sdelay $0x4  }
0x76: {  	v46 =	vshll.u32 v3, $0x2  }
0x77: {  	v3 =	vand.u32 $0x7, v3;
	v4 =	vand.u32 $0xFFFFFFE0, v46  }
0x78: {  	v3 =	vor.u32 v3, v4  }
0x79: {  	v4 =	vperm.xlane v3, v0;
	_ =	sdelay $0x1  }
0x7a: {  	v4 =	vadd.s32 v1, v4;
	_ =	sdelay $0x1  }
0x7b: {  	v3 =	vperm.xlane v3, v2;
	_ =	sdelay $0x1  }
0x7c: {  	s7 =	simm.s32 $0xC080;
	v3 =	vadd.s32 v1, v3  }
0x7d: {  	[tilespmem:s7], [sflag:$0x1] =	stream.indirect_vreg.gather [hbm4b:s3+s2], $0x80, v4, vm0, $0xb8;
	[tilespmem:$0x10080] =	vst v63  }
0x7e: {  	s15 =	simm.s32 $0xC880  }
0x7f: {  	[tilespmem:s15], [sflag:$0x1] =	stream.indirect_vreg.gather [hbm4b:s4+s2], $0x80, v4, vm0, $0xb8;
	[tilespmem:$0x10080] =	vst v63  }
0x80: {  	s15 =	simm.s32 $0xD080  }
0x81: {  	[tilespmem:s15], [sflag:$0x1] =	stream.indirect_vreg.gather [hbm4b:s3+s2], $0x80, v3, vm0, $0xb8;
	[tilespmem:$0x10080] =	vst v63  }
0x82: {  	s15 =	simm.s32 $0xD880  }
0x83: {  	[tilespmem:s15], [sflag:$0x1] =	stream.indirect_vreg.gather [hbm4b:s4+s2], $0x80, v3, vm0, $0xb8;
	[tilespmem:$0x10080] =	vst v63  }
0x84: {  	v3 =	vld [tilespmem:$0x70];
	_ =	sdelay $0x4  }
0x85: {  	v47 =	vshll.u32 v3, $0x2  }
0x86: {  	v3 =	vand.u32 $0x7, v3;
	v4 =	vand.u32 $0xFFFFFFE0, v47  }
0x87: {  	v3 =	vor.u32 v3, v4  }
0x88: {  	v4 =	vperm.xlane v3, v0;
	_ =	sdelay $0x1  }
0x89: {  	v4 =	vadd.s32 v1, v4;
	_ =	sdelay $0x1  }
0x8a: {  	v3 =	vperm.xlane v3, v2;
	_ =	sdelay $0x1  }
0x8b: {  	s15 =	simm.s32 $0xE080;
	v3 =	vadd.s32 v1, v3  }
0x8c: {  	[tilespmem:s15], [sflag:$0x1] =	stream.indirect_vreg.gather [hbm4b:s3+s2], $0x80, v4, vm0, $0xb8;
	[tilespmem:$0x10080] =	vst v63  }
0x8d: {  	s15 =	simm.s32 $0xE880  }
0x8e: {  	[tilespmem:s15], [sflag:$0x1] =	stream.indirect_vreg.gather [hbm4b:s4+s2], $0x80, v4, vm0, $0xb8;
	[tilespmem:$0x10080] =	vst v63  }
0x8f: {  	s15 =	simm.s32 $0xF080  }
0x90: {  	[tilespmem:s15], [sflag:$0x1] =	stream.indirect_vreg.gather [hbm4b:s3+s2], $0x80, v3, vm0, $0xb8;
	[tilespmem:$0x10080] =	vst v63  }
0x91: {  	s15 =	simm.s32 $0xF880  }
0x92: {  	[tilespmem:s15], [sflag:$0x1] =	stream.indirect_vreg.gather [hbm4b:s4+s2], $0x80, v3, vm0, $0xb8;
	[tilespmem:$0x10080] =	vst v63  }
0x93: {  	_ =	swait.ge [sflag:s14], $0x10000  }
0x94: {  	[sflag:s14] =	ssyncset.done $0x0  }
0x95: {  	s15 =	rddreg [dreg:$0x3];
	[sflag:s14] =	ssyncadd.s32 $0xFFFF0000  }
0x96: {  	[hbm4b:s15+s2] =	stream.linear.scatter [tilespmem:s0], [sflag:$0x2], $0x10000, $0x38;
	[tilespmem:$0x10080] =	vst v63  }
0x97: {  	_ =	swait.ge [sflag:s6], $0x10000  }
0x98: {  	[sflag:s6] =	ssyncset.done $0x0  }
0x99: {  	s15 =	rddreg [dreg:$0x4];
	[sflag:s6] =	ssyncadd.s32 $0xFFFF0000  }
0x9a: {  	[tilespmem:s2], [sflag:$0x2] =	stream.linear.gather [hbm4b:s15+s2], $0x80, $0x38;
	[tilespmem:$0x10080] =	vst v63  }
0x9b: {  	_ =	swait.ge [sflag:s6], $0x80  }
0x9c: {  	[sflag:s6] =	ssyncset.done $0x0  }
0x9d: {  	[sflag:s6] =	ssyncadd.s32 $0xFFFFFF80  }
0x9e: {  	v3 =	vld [tilespmem:$0x0];
	_ =	sdelay $0x4  }
0x9f: {  	v48 =	vshll.u32 v3, $0x2  }
0xa0: {  	v3 =	vand.u32 $0x7, v3;
	v4 =	vand.u32 $0xFFFFFFE0, v48  }
0xa1: {  	v3 =	vor.u32 v3, v4  }
0xa2: {  	v4 =	vperm.xlane v3, v0;
	_ =	sdelay $0x1  }
0xa3: {  	v4 =	vadd.s32 v1, v4;
	_ =	sdelay $0x1  }
0xa4: {  	v3 =	vperm.xlane v3, v2;
	_ =	sdelay $0x1  }
0xa5: {  	v3 =	vadd.s32 v1, v3  }
0xa6: {  	[tilespmem:s0], [sflag:$0x1] =	stream.indirect_vreg.gather [hbm4b:s3+s2], $0x80, v4, vm0, $0xb8;
	[tilespmem:$0x10080] =	vst v63  }
0xa7: {  	_ = 	snop  }
0xa8: {  	[tilespmem:s16], [sflag:$0x1] =	stream.indirect_vreg.gather [hbm4b:s4+s2], $0x80, v4, vm0, $0xb8;
	[tilespmem:$0x10080] =	vst v63  }
0xa9: {  	_ = 	snop  }
0xaa: {  	[tilespmem:s17], [sflag:$0x1] =	stream.indirect_vreg.gather [hbm4b:s3+s2], $0x80, v3, vm0, $0xb8;
	[tilespmem:$0x10080] =	vst v63  }
0xab: {  	_ = 	snop  }
0xac: {  	[tilespmem:s18], [sflag:$0x1] =	stream.indirect_vreg.gather [hbm4b:s4+s2], $0x80, v3, vm0, $0xb8;
	[tilespmem:$0x10080] =	vst v63  }
0xad: {  	v3 =	vld [tilespmem:$0x10];
	_ =	sdelay $0x4  }
0xae: {  	v49 =	vshll.u32 v3, $0x2  }
0xaf: {  	v3 =	vand.u32 $0x7, v3;
	v4 =	vand.u32 $0xFFFFFFE0, v49  }
0xb0: {  	v3 =	vor.u32 v3, v4  }
0xb1: {  	v4 =	vperm.xlane v3, v0;
	_ =	sdelay $0x1  }
0xb2: {  	v4 =	vadd.s32 v1, v4;
	_ =	sdelay $0x1  }
0xb3: {  	v3 =	vperm.xlane v3, v2;
	_ =	sdelay $0x1  }
0xb4: {  	v3 =	vadd.s32 v1, v3  }
0xb5: {  	[tilespmem:s19], [sflag:$0x1] =	stream.indirect_vreg.gather [hbm4b:s3+s2], $0x80, v4, vm0, $0xb8;
	[tilespmem:$0x10080] =	vst v63  }
0xb6: {  	_ = 	snop  }
0xb7: {  	[tilespmem:s20], [sflag:$0x1] =	stream.indirect_vreg.gather [hbm4b:s4+s2], $0x80, v4, vm0, $0xb8;
	[tilespmem:$0x10080] =	vst v63  }
0xb8: {  	_ = 	snop  }
0xb9: {  	[tilespmem:s21], [sflag:$0x1] =	stream.indirect_vreg.gather [hbm4b:s3+s2], $0x80, v3, vm0, $0xb8;
	[tilespmem:$0x10080] =	vst v63  }
0xba: {  	_ = 	snop  }
0xbb: {  	[tilespmem:s22], [sflag:$0x1] =	stream.indirect_vreg.gather [hbm4b:s4+s2], $0x80, v3, vm0, $0xb8;
	[tilespmem:$0x10080] =	vst v63  }
0xbc: {  	v3 =	vld [tilespmem:$0x20];
	_ =	sdelay $0x4  }
0xbd: {  	v50 =	vshll.u32 v3, $0x2  }
0xbe: {  	v3 =	vand.u32 $0x7, v3;
	v4 =	vand.u32 $0xFFFFFFE0, v50  }
0xbf: {  	v3 =	vor.u32 v3, v4  }
0xc0: {  	v4 =	vperm.xlane v3, v0;
	_ =	sdelay $0x1  }
0xc1: {  	v4 =	vadd.s32 v1, v4;
	_ =	sdelay $0x1  }
0xc2: {  	v3 =	vperm.xlane v3, v2;
	_ =	sdelay $0x1  }
0xc3: {  	v3 =	vadd.s32 v1, v3  }
0xc4: {  	[tilespmem:s23], [sflag:$0x1] =	stream.indirect_vreg.gather [hbm4b:s3+s2], $0x80, v4, vm0, $0xb8;
	[tilespmem:$0x10080] =	vst v63  }
0xc5: {  	_ = 	snop  }
0xc6: {  	[tilespmem:s24], [sflag:$0x1] =	stream.indirect_vreg.gather [hbm4b:s4+s2], $0x80, v4, vm0, $0xb8;
	[tilespmem:$0x10080] =	vst v63  }
0xc7: {  	_ = 	snop  }
0xc8: {  	[tilespmem:s25], [sflag:$0x1] =	stream.indirect_vreg.gather [hbm4b:s3+s2], $0x80, v3, vm0, $0xb8;
	[tilespmem:$0x10080] =	vst v63  }
0xc9: {  	_ = 	snop  }
0xca: {  	[tilespmem:s26], [sflag:$0x1] =	stream.indirect_vreg.gather [hbm4b:s4+s2], $0x80, v3, vm0, $0xb8;
	[tilespmem:$0x10080] =	vst v63  }
0xcb: {  	v3 =	vld [tilespmem:$0x30];
	_ =	sdelay $0x4  }
0xcc: {  	v51 =	vshll.u32 v3, $0x2  }
0xcd: {  	v3 =	vand.u32 $0x7, v3;
	v4 =	vand.u32 $0xFFFFFFE0, v51  }
0xce: {  	v3 =	vor.u32 v3, v4  }
0xcf: {  	v4 =	vperm.xlane v3, v0;
	_ =	sdelay $0x1  }
0xd0: {  	v4 =	vadd.s32 v1, v4;
	_ =	sdelay $0x1  }
0xd1: {  	v3 =	vperm.xlane v3, v2;
	_ =	sdelay $0x1  }
0xd2: {  	v3 =	vadd.s32 v1, v3  }
0xd3: {  	[tilespmem:s28], [sflag:$0x1] =	stream.indirect_vreg.gather [hbm4b:s3+s2], $0x80, v4, vm0, $0xb8;
	[tilespmem:$0x10080] =	vst v63  }
0xd4: {  	_ = 	snop  }
0xd5: {  	[tilespmem:s29], [sflag:$0x1] =	stream.indirect_vreg.gather [hbm4b:s4+s2], $0x80, v4, vm0, $0xb8;
	[tilespmem:$0x10080] =	vst v63  }
0xd6: {  	_ = 	snop  }
0xd7: {  	[tilespmem:s30], [sflag:$0x1] =	stream.indirect_vreg.gather [hbm4b:s3+s2], $0x80, v3, vm0, $0xb8;
	[tilespmem:$0x10080] =	vst v63  }
0xd8: {  	_ = 	snop  }
0xd9: {  	[tilespmem:s31], [sflag:$0x1] =	stream.indirect_vreg.gather [hbm4b:s4+s2], $0x80, v3, vm0, $0xb8;
	[tilespmem:$0x10080] =	vst v63  }
0xda: {  	v3 =	vld [tilespmem:$0x40];
	_ =	sdelay $0x4  }
0xdb: {  	v52 =	vshll.u32 v3, $0x2  }
0xdc: {  	v3 =	vand.u32 $0x7, v3;
	v4 =	vand.u32 $0xFFFFFFE0, v52  }
0xdd: {  	v3 =	vor.u32 v3, v4  }
0xde: {  	v4 =	vperm.xlane v3, v0;
	_ =	sdelay $0x1  }
0xdf: {  	v4 =	vadd.s32 v1, v4;
	_ =	sdelay $0x1  }
0xe0: {  	v3 =	vperm.xlane v3, v2;
	_ =	sdelay $0x1  }
0xe1: {  	v3 =	vadd.s32 v1, v3  }
0xe2: {  	[tilespmem:s1], [sflag:$0x1] =	stream.indirect_vreg.gather [hbm4b:s3+s2], $0x80, v4, vm0, $0xb8;
	[tilespmem:$0x10080] =	vst v63  }
0xe3: {  	s15 =	simm.s32 $0x8880  }
0xe4: {  	[tilespmem:s15], [sflag:$0x1] =	stream.indirect_vreg.gather [hbm4b:s4+s2], $0x80, v4, vm0, $0xb8;
	[tilespmem:$0x10080] =	vst v63  }
0xe5: {  	_ = 	snop  }
0xe6: {  	[tilespmem:s8], [sflag:$0x1] =	stream.indirect_vreg.gather [hbm4b:s3+s2], $0x80, v3, vm0, $0xb8;
	[tilespmem:$0x10080] =	vst v63  }
0xe7: {  	_ = 	snop  }
0xe8: {  	[tilespmem:s9], [sflag:$0x1] =	stream.indirect_vreg.gather [hbm4b:s4+s2], $0x80, v3, vm0, $0xb8;
	[tilespmem:$0x10080] =	vst v63  }
0xe9: {  	v3 =	vld [tilespmem:$0x50];
	_ =	sdelay $0x4  }
0xea: {  	v53 =	vshll.u32 v3, $0x2  }
0xeb: {  	v3 =	vand.u32 $0x7, v3;
	v4 =	vand.u32 $0xFFFFFFE0, v53  }
0xec: {  	v3 =	vor.u32 v3, v4  }
0xed: {  	v4 =	vperm.xlane v3, v0;
	_ =	sdelay $0x1  }
0xee: {  	v4 =	vadd.s32 v1, v4;
	_ =	sdelay $0x1  }
0xef: {  	v3 =	vperm.xlane v3, v2;
	_ =	sdelay $0x1  }
0xf0: {  	v3 =	vadd.s32 v1, v3  }
0xf1: {  	[tilespmem:s10], [sflag:$0x1] =	stream.indirect_vreg.gather [hbm4b:s3+s2], $0x80, v4, vm0, $0xb8;
	[tilespmem:$0x10080] =	vst v63  }
0xf2: {  	_ = 	snop  }
0xf3: {  	[tilespmem:s11], [sflag:$0x1] =	stream.indirect_vreg.gather [hbm4b:s4+s2], $0x80, v4, vm0, $0xb8;
	[tilespmem:$0x10080] =	vst v63  }
0xf4: {  	_ = 	snop  }
0xf5: {  	[tilespmem:s12], [sflag:$0x1] =	stream.indirect_vreg.gather [hbm4b:s3+s2], $0x80, v3, vm0, $0xb8;
	[tilespmem:$0x10080] =	vst v63  }
0xf6: {  	_ = 	snop  }
0xf7: {  	[tilespmem:s13], [sflag:$0x1] =	stream.indirect_vreg.gather [hbm4b:s4+s2], $0x80, v3, vm0, $0xb8;
	[tilespmem:$0x10080] =	vst v63  }
0xf8: {  	v3 =	vld [tilespmem:$0x60];
	_ =	sdelay $0x4  }
0xf9: {  	v54 =	vshll.u32 v3, $0x2  }
0xfa: {  	v3 =	vand.u32 $0x7, v3;
	v4 =	vand.u32 $0xFFFFFFE0, v54  }
0xfb: {  	v3 =	vor.u32 v3, v4  }
0xfc: {  	v4 =	vperm.xlane v3, v0;
	_ =	sdelay $0x1  }
0xfd: {  	v4 =	vadd.s32 v1, v4;
	_ =	sdelay $0x1  }
0xfe: {  	v3 =	vperm.xlane v3, v2;
	_ =	sdelay $0x1  }
0xff: {  	v3 =	vadd.s32 v1, v3  }
0x100: {  	[tilespmem:s7], [sflag:$0x1] =	stream.indirect_vreg.gather [hbm4b:s3+s2], $0x80, v4, vm0, $0xb8;
	[tilespmem:$0x10080] =	vst v63  }
0x101: {  	s15 =	simm.s32 $0xC880  }
0x102: {  	[tilespmem:s15], [sflag:$0x1] =	stream.indirect_vreg.gather [hbm4b:s4+s2], $0x80, v4, vm0, $0xb8;
	[tilespmem:$0x10080] =	vst v63  }
0x103: {  	s15 =	simm.s32 $0xD080  }
0x104: {  	[tilespmem:s15], [sflag:$0x1] =	stream.indirect_vreg.gather [hbm4b:s3+s2], $0x80, v3, vm0, $0xb8;
	[tilespmem:$0x10080] =	vst v63  }
0x105: {  	s15 =	simm.s32 $0xD880  }
0x106: {  	[tilespmem:s15], [sflag:$0x1] =	stream.indirect_vreg.gather [hbm4b:s4+s2], $0x80, v3, vm0, $0xb8;
	[tilespmem:$0x10080] =	vst v63  }
0x107: {  	v3 =	vld [tilespmem:$0x70];
	_ =	sdelay $0x4  }
0x108: {  	v55 =	vshll.u32 v3, $0x2  }
0x109: {  	v3 =	vand.u32 $0x7, v3;
	v4 =	vand.u32 $0xFFFFFFE0, v55  }
0x10a: {  	v3 =	vor.u32 v3, v4  }
0x10b: {  	v4 =	vperm.xlane v3, v0;
	_ =	sdelay $0x1  }
0x10c: {  	v4 =	vadd.s32 v1, v4;
	_ =	sdelay $0x1  }
0x10d: {  	v3 =	vperm.xlane v3, v2;
	_ =	sdelay $0x1  }
0x10e: {  	s15 =	simm.s32 $0xE080;
	v3 =	vadd.s32 v1, v3  }
0x10f: {  	[tilespmem:s15], [sflag:$0x1] =	stream.indirect_vreg.gather [hbm4b:s3+s2], $0x80, v4, vm0, $0xb8;
	[tilespmem:$0x10080] =	vst v63  }
0x110: {  	s15 =	simm.s32 $0xE880  }
0x111: {  	[tilespmem:s15], [sflag:$0x1] =	stream.indirect_vreg.gather [hbm4b:s4+s2], $0x80, v4, vm0, $0xb8;
	[tilespmem:$0x10080] =	vst v63  }
0x112: {  	s15 =	simm.s32 $0xF080  }
0x113: {  	[tilespmem:s15], [sflag:$0x1] =	stream.indirect_vreg.gather [hbm4b:s3+s2], $0x80, v3, vm0, $0xb8;
	[tilespmem:$0x10080] =	vst v63  }
0x114: {  	s15 =	simm.s32 $0xF880  }
0x115: {  	[tilespmem:s15], [sflag:$0x1] =	stream.indirect_vreg.gather [hbm4b:s4+s2], $0x80, v3, vm0, $0xb8;
	[tilespmem:$0x10080] =	vst v63  }
0x116: {  	_ =	swait.ge [sflag:s14], $0x10000  }
0x117: {  	[sflag:s14] =	ssyncset.done $0x0  }
0x118: {  	s15 =	rddreg [dreg:$0x5];
	[sflag:s14] =	ssyncadd.s32 $0xFFFF0000  }
0x119: {  	[hbm4b:s15+s2] =	stream.linear.scatter [tilespmem:s0], [sflag:$0x2], $0x10000, $0x38;
	[tilespmem:$0x10080] =	vst v63  }
0x11a: {  	_ =	swait.ge [sflag:s6], $0x10000  }
0x11b: {  	[sflag:s6] =	ssyncset.done $0x0  }
0x11c: {  	s15 =	rddreg [dreg:$0x6];
	[sflag:s6] =	ssyncadd.s32 $0xFFFF0000  }
0x11d: {  	[tilespmem:s2], [sflag:$0x2] =	stream.linear.gather [hbm4b:s15+s2], $0x80, $0x38;
	[tilespmem:$0x10080] =	vst v63  }
0x11e: {  	_ =	swait.ge [sflag:s6], $0x80  }
0x11f: {  	[sflag:s6] =	ssyncset.done $0x0  }
0x120: {  	[sflag:s6] =	ssyncadd.s32 $0xFFFFFF80  }
0x121: {  	v3 =	vld [tilespmem:$0x0];
	_ =	sdelay $0x4  }
0x122: {  	v56 =	vshll.u32 v3, $0x2  }
0x123: {  	v3 =	vand.u32 $0x7, v3;
	v4 =	vand.u32 $0xFFFFFFE0, v56  }
0x124: {  	v3 =	vor.u32 v3, v4  }
0x125: {  	v4 =	vperm.xlane v3, v0;
	_ =	sdelay $0x1  }
0x126: {  	v4 =	vadd.s32 v1, v4;
	_ =	sdelay $0x1  }
0x127: {  	v3 =	vperm.xlane v3, v2;
	_ =	sdelay $0x1  }
0x128: {  	v3 =	vadd.s32 v1, v3  }
0x129: {  	[tilespmem:s0], [sflag:$0x1] =	stream.indirect_vreg.gather [hbm4b:s3+s2], $0x80, v4, vm0, $0xb8;
	[tilespmem:$0x10080] =	vst v63  }
0x12a: {  	_ = 	snop  }
0x12b: {  	[tilespmem:s16], [sflag:$0x1] =	stream.indirect_vreg.gather [hbm4b:s4+s2], $0x80, v4, vm0, $0xb8;
	[tilespmem:$0x10080] =	vst v63  }
0x12c: {  	_ = 	snop  }
0x12d: {  	[tilespmem:s17], [sflag:$0x1] =	stream.indirect_vreg.gather [hbm4b:s3+s2], $0x80, v3, vm0, $0xb8;
	[tilespmem:$0x10080] =	vst v63  }
0x12e: {  	_ = 	snop  }
0x12f: {  	[tilespmem:s18], [sflag:$0x1] =	stream.indirect_vreg.gather [hbm4b:s4+s2], $0x80, v3, vm0, $0xb8;
	[tilespmem:$0x10080] =	vst v63  }
0x130: {  	v3 =	vld [tilespmem:$0x10];
	_ =	sdelay $0x4  }
0x131: {  	v57 =	vshll.u32 v3, $0x2  }
0x132: {  	v3 =	vand.u32 $0x7, v3;
	v4 =	vand.u32 $0xFFFFFFE0, v57  }
0x133: {  	v3 =	vor.u32 v3, v4  }
0x134: {  	v4 =	vperm.xlane v3, v0;
	_ =	sdelay $0x1  }
0x135: {  	v4 =	vadd.s32 v1, v4;
	_ =	sdelay $0x1  }
0x136: {  	v3 =	vperm.xlane v3, v2;
	_ =	sdelay $0x1  }
0x137: {  	v3 =	vadd.s32 v1, v3  }
0x138: {  	[tilespmem:s19], [sflag:$0x1] =	stream.indirect_vreg.gather [hbm4b:s3+s2], $0x80, v4, vm0, $0xb8;
	[tilespmem:$0x10080] =	vst v63  }
0x139: {  	_ = 	snop  }
0x13a: {  	[tilespmem:s20], [sflag:$0x1] =	stream.indirect_vreg.gather [hbm4b:s4+s2], $0x80, v4, vm0, $0xb8;
	[tilespmem:$0x10080] =	vst v63  }
0x13b: {  	_ = 	snop  }
0x13c: {  	[tilespmem:s21], [sflag:$0x1] =	stream.indirect_vreg.gather [hbm4b:s3+s2], $0x80, v3, vm0, $0xb8;
	[tilespmem:$0x10080] =	vst v63  }
0x13d: {  	_ = 	snop  }
0x13e: {  	[tilespmem:s22], [sflag:$0x1] =	stream.indirect_vreg.gather [hbm4b:s4+s2], $0x80, v3, vm0, $0xb8;
	[tilespmem:$0x10080] =	vst v63  }
0x13f: {  	v3 =	vld [tilespmem:$0x20];
	_ =	sdelay $0x4  }
0x140: {  	v58 =	vshll.u32 v3, $0x2  }
0x141: {  	v3 =	vand.u32 $0x7, v3;
	v4 =	vand.u32 $0xFFFFFFE0, v58  }
0x142: {  	v3 =	vor.u32 v3, v4  }
0x143: {  	v4 =	vperm.xlane v3, v0;
	_ =	sdelay $0x1  }
0x144: {  	v4 =	vadd.s32 v1, v4;
	_ =	sdelay $0x1  }
0x145: {  	v3 =	vperm.xlane v3, v2;
	_ =	sdelay $0x1  }
0x146: {  	v3 =	vadd.s32 v1, v3  }
0x147: {  	[tilespmem:s23], [sflag:$0x1] =	stream.indirect_vreg.gather [hbm4b:s3+s2], $0x80, v4, vm0, $0xb8;
	[tilespmem:$0x10080] =	vst v63  }
0x148: {  	_ = 	snop  }
0x149: {  	[tilespmem:s24], [sflag:$0x1] =	stream.indirect_vreg.gather [hbm4b:s4+s2], $0x80, v4, vm0, $0xb8;
	[tilespmem:$0x10080] =	vst v63  }
0x14a: {  	_ = 	snop  }
0x14b: {  	[tilespmem:s25], [sflag:$0x1] =	stream.indirect_vreg.gather [hbm4b:s3+s2], $0x80, v3, vm0, $0xb8;
	[tilespmem:$0x10080] =	vst v63  }
0x14c: {  	_ = 	snop  }
0x14d: {  	[tilespmem:s26], [sflag:$0x1] =	stream.indirect_vreg.gather [hbm4b:s4+s2], $0x80, v3, vm0, $0xb8;
	[tilespmem:$0x10080] =	vst v63  }
0x14e: {  	v3 =	vld [tilespmem:$0x30];
	_ =	sdelay $0x4  }
0x14f: {  	v59 =	vshll.u32 v3, $0x2  }
0x150: {  	v3 =	vand.u32 $0x7, v3;
	v4 =	vand.u32 $0xFFFFFFE0, v59  }
0x151: {  	v3 =	vor.u32 v3, v4  }
0x152: {  	v4 =	vperm.xlane v3, v0;
	_ =	sdelay $0x1  }
0x153: {  	v4 =	vadd.s32 v1, v4;
	_ =	sdelay $0x1  }
0x154: {  	v3 =	vperm.xlane v3, v2;
	_ =	sdelay $0x1  }
0x155: {  	v3 =	vadd.s32 v1, v3  }
0x156: {  	[tilespmem:s28], [sflag:$0x1] =	stream.indirect_vreg.gather [hbm4b:s3+s2], $0x80, v4, vm0, $0xb8;
	[tilespmem:$0x10080] =	vst v63  }
0x157: {  	_ = 	snop  }
0x158: {  	[tilespmem:s29], [sflag:$0x1] =	stream.indirect_vreg.gather [hbm4b:s4+s2], $0x80, v4, vm0, $0xb8;
	[tilespmem:$0x10080] =	vst v63  }
0x159: {  	_ = 	snop  }
0x15a: {  	[tilespmem:s30], [sflag:$0x1] =	stream.indirect_vreg.gather [hbm4b:s3+s2], $0x80, v3, vm0, $0xb8;
	[tilespmem:$0x10080] =	vst v63  }
0x15b: {  	_ = 	snop  }
0x15c: {  	[tilespmem:s31], [sflag:$0x1] =	stream.indirect_vreg.gather [hbm4b:s4+s2], $0x80, v3, vm0, $0xb8;
	[tilespmem:$0x10080] =	vst v63  }
0x15d: {  	v3 =	vld [tilespmem:$0x40];
	_ =	sdelay $0x4  }
0x15e: {  	v60 =	vshll.u32 v3, $0x2  }
0x15f: {  	v3 =	vand.u32 $0x7, v3;
	v4 =	vand.u32 $0xFFFFFFE0, v60  }
0x160: {  	v3 =	vor.u32 v3, v4  }
0x161: {  	v4 =	vperm.xlane v3, v0;
	_ =	sdelay $0x1  }
0x162: {  	v4 =	vadd.s32 v1, v4;
	_ =	sdelay $0x1  }
0x163: {  	v3 =	vperm.xlane v3, v2;
	_ =	sdelay $0x1  }
0x164: {  	v3 =	vadd.s32 v1, v3  }
0x165: {  	[tilespmem:s1], [sflag:$0x1] =	stream.indirect_vreg.gather [hbm4b:s3+s2], $0x80, v4, vm0, $0xb8;
	[tilespmem:$0x10080] =	vst v63  }
0x166: {  	s15 =	simm.s32 $0x8880  }
0x167: {  	[tilespmem:s15], [sflag:$0x1] =	stream.indirect_vreg.gather [hbm4b:s4+s2], $0x80, v4, vm0, $0xb8;
	[tilespmem:$0x10080] =	vst v63  }
0x168: {  	_ = 	snop  }
0x169: {  	[tilespmem:s8], [sflag:$0x1] =	stream.indirect_vreg.gather [hbm4b:s3+s2], $0x80, v3, vm0, $0xb8;
	[tilespmem:$0x10080] =	vst v63  }
0x16a: {  	_ = 	snop  }
0x16b: {  	[tilespmem:s9], [sflag:$0x1] =	stream.indirect_vreg.gather [hbm4b:s4+s2], $0x80, v3, vm0, $0xb8;
	[tilespmem:$0x10080] =	vst v63  }
0x16c: {  	v3 =	vld [tilespmem:$0x50];
	_ =	sdelay $0x4  }
0x16d: {  	v61 =	vshll.u32 v3, $0x2  }
0x16e: {  	v3 =	vand.u32 $0x7, v3;
	v4 =	vand.u32 $0xFFFFFFE0, v61  }
0x16f: {  	v3 =	vor.u32 v3, v4  }
0x170: {  	v4 =	vperm.xlane v3, v0;
	_ =	sdelay $0x1  }
0x171: {  	v4 =	vadd.s32 v1, v4;
	_ =	sdelay $0x1  }
0x172: {  	v3 =	vperm.xlane v3, v2;
	_ =	sdelay $0x1  }
0x173: {  	v3 =	vadd.s32 v1, v3  }
0x174: {  	[tilespmem:s10], [sflag:$0x1] =	stream.indirect_vreg.gather [hbm4b:s3+s2], $0x80, v4, vm0, $0xb8;
	[tilespmem:$0x10080] =	vst v63  }
0x175: {  	_ = 	snop  }
0x176: {  	[tilespmem:s11], [sflag:$0x1] =	stream.indirect_vreg.gather [hbm4b:s4+s2], $0x80, v4, vm0, $0xb8;
	[tilespmem:$0x10080] =	vst v63  }
0x177: {  	_ = 	snop  }
0x178: {  	[tilespmem:s12], [sflag:$0x1] =	stream.indirect_vreg.gather [hbm4b:s3+s2], $0x80, v3, vm0, $0xb8;
	[tilespmem:$0x10080] =	vst v63  }
0x179: {  	_ = 	snop  }
0x17a: {  	[tilespmem:s13], [sflag:$0x1] =	stream.indirect_vreg.gather [hbm4b:s4+s2], $0x80, v3, vm0, $0xb8;
	[tilespmem:$0x10080] =	vst v63  }
0x17b: {  	v3 =	vld [tilespmem:$0x60];
	_ =	sdelay $0x4  }
0x17c: {  	v62 =	vshll.u32 v3, $0x2  }
0x17d: {  	v3 =	vand.u32 $0x7, v3;
	v4 =	vand.u32 $0xFFFFFFE0, v62  }
0x17e: {  	v3 =	vor.u32 v3, v4  }
0x17f: {  	v4 =	vperm.xlane v3, v0;
	_ =	sdelay $0x1  }
0x180: {  	v4 =	vadd.s32 v1, v4;
	_ =	sdelay $0x1  }
0x181: {  	v3 =	vperm.xlane v3, v2;
	_ =	sdelay $0x1  }
0x182: {  	v3 =	vadd.s32 v1, v3  }
0x183: {  	[tilespmem:s7], [sflag:$0x1] =	stream.indirect_vreg.gather [hbm4b:s3+s2], $0x80, v4, vm0, $0xb8;
	[tilespmem:$0x10080] =	vst v63  }
0x184: {  	s15 =	simm.s32 $0xC880  }
0x185: {  	[tilespmem:s15], [sflag:$0x1] =	stream.indirect_vreg.gather [hbm4b:s4+s2], $0x80, v4, vm0, $0xb8;
	[tilespmem:$0x10080] =	vst v63  }
0x186: {  	s7 =	simm.s32 $0xD080  }
0x187: {  	[tilespmem:s7], [sflag:$0x1] =	stream.indirect_vreg.gather [hbm4b:s3+s2], $0x80, v3, vm0, $0xb8;
	[tilespmem:$0x10080] =	vst v63  }
0x188: {  	s15 =	simm.s32 $0xD880  }
0x189: {  	[tilespmem:s15], [sflag:$0x1] =	stream.indirect_vreg.gather [hbm4b:s4+s2], $0x80, v3, vm0, $0xb8;
	[tilespmem:$0x10080] =	vst v63  }
0x18a: {  	v3 =	vld [tilespmem:$0x70];
	_ =	sdelay $0x4  }
0x18b: {  	v63 =	vshll.u32 v3, $0x2  }
0x18c: {  	v3 =	vand.u32 $0x7, v3;
	v4 =	vand.u32 $0xFFFFFFE0, v63  }
0x18d: {  	v3 =	vor.u32 v3, v4  }
0x18e: {  	v4 =	vperm.xlane v3, v0;
	_ =	sdelay $0x1  }
0x18f: {  	v4 =	vadd.s32 v1, v4;
	_ =	sdelay $0x1  }
0x190: {  	v3 =	vperm.xlane v3, v2;
	_ =	sdelay $0x1  }
0x191: {  	s7 =	simm.s32 $0xE080;
	v3 =	vadd.s32 v1, v3  }
0x192: {  	[tilespmem:s7], [sflag:$0x1] =	stream.indirect_vreg.gather [hbm4b:s3+s2], $0x80, v4, vm0, $0xb8;
	[tilespmem:$0x10080] =	vst v63  }
0x193: {  	s15 =	simm.s32 $0xE880  }
0x194: {  	[tilespmem:s15], [sflag:$0x1] =	stream.indirect_vreg.gather [hbm4b:s4+s2], $0x80, v4, vm0, $0xb8;
	[tilespmem:$0x10080] =	vst v63  }
0x195: {  	s7 =	simm.s32 $0xF080  }
0x196: {  	[tilespmem:s7], [sflag:$0x1] =	stream.indirect_vreg.gather [hbm4b:s3+s2], $0x80, v3, vm0, $0xb8;
	[tilespmem:$0x10080] =	vst v63  }
0x197: {  	s15 =	simm.s32 $0xF880  }
0x198: {  	[tilespmem:s15], [sflag:$0x1] =	stream.indirect_vreg.gather [hbm4b:s4+s2], $0x80, v3, vm0, $0xb8;
	[tilespmem:$0x10080] =	vst v63  }
0x199: {  	_ =	swait.ge [sflag:s14], $0x10000  }
0x19a: {  	p0 =	sne.s32 s5, $0x1;
	[sflag:s14] =	ssyncset.done $0x0  }
.Ltmp0:
0x19b: {  	s7 =	rddreg [dreg:$0x7];
	[sflag:s14] =	ssyncadd.s32 $0xFFFF0000;
	(pc) =	sbr.rel @p0 .LBB2_1-.Ltmp0, $4  }
0x19c: {  	[hbm4b:s7+s2] =	stream.linear.scatter [tilespmem:s0], [sflag:$0x2], $0x10000, $0x38;
	[tilespmem:$0x10080] =	vst v63  }
0x19d: {  	_ =	swait.ge [sflag:s6], $0x10000  }
0x19e: {  	[sflag:s6] =	ssyncset.done $0x0  }
0x19f: {  	s5 =	sadd.s32 $0xFFFFFFFF, s5;
	[sflag:s6] =	ssyncadd.s32 $0xFFFF0000  }
0x1a0: {  	_ =	sfence.sel $0x180000  }
0x1a1: {  	[bflag:$0x0] =	sbarrier.arrive $0xFFFF  }
0x1a2: {  	_ =	strace $0x9000004A  }
0x1a3: {  	s0 =	stileid.u32;
	[bflag:$0x2] =	sbarrier.arrive $0xFFFF  }
0x1a4: {  	p0 =	sne.s32 s0, $0x0;
	s0 =	rddreg [dreg:$0x1]  }
0x1a5: {  	s0 =	sadd.s32 @!p0 $0x100000, s0  }
0x1a6: {  	[sflag:s0] =	ssyncadd.tile.s32 @!p0 $0x1;
	_ =	shalt  }
.Lfunc_end2:
_tile_overlayer_lowered:
.L_overlay_start_2:
0x1a7: {  	(tag) =	ssettag $0x2  }
0x1a8: {  	s0 =	rddreg [dreg:$0x0];
	s2 =	stileid.u32  }
0x1a9: {  	s1 =	rddreg [dreg:$0x1];
	p0 =	sne.s32 s2, $0x0  }
0x1aa: {  	s3 =	rddreg [dreg:$0x2];
	[bflag:$0x3] =	sbarrier.arrive $0xFFFF;
	s2 =	simm.s32 @!p0 $0x1C02  }
0x1ab: {  	[timem:s3], [sflag:s2] =	dma.local @!p0 [hbm:s0], s1  }
0x1ac: {  	s0 =	simm.s32 @!p0 $0x2  }
0x1ad: {  	_ =	swait.ge @!p0 [sflag:s0], s1  }
0x1ae: {  	s1 =	ssub.s32 @!p0 $0x0, s1;
	[sflag:s0] =	ssyncset.done @!p0 $0x0  }
0x1af: {  	[sflag:s0] =	ssyncadd.s32 @!p0 s1  }
0x1b0: {  	[bflag:$0x3] =	sbarrier.arrive $0xFFFF  }
0x1b1: {  	_ =	shalt  }

// kernel: sparse-core-data-format-call.1.cloned.1.call-start
scs
called_computation.1_lowered:
.L_overlay_start_0:
0x0: {  	s1 =	sld [smem:$0x3FD9]  }
0x1: {  	s2 =	sld [smem:$0x3FFE];
	_ =	sdelay $0x1  }
0x2: {  	s3 =	srdreg.scid  }
0x3: {  	s0 =	sand.u32 $0x1, s3  }
0x4: {  	s17 =	sshll.u32 s0, $0xA;
	s1 =	sadd.s32 s2, s1  }
0x5: {  	s1 =	sadd.s32 s1, s17  }
0x6: {  	[smem:$0x3FBF] =	sst s1  }
0x7: {  	_ = 	snop  }
0x8: {  	(tm) =	ssettm $0x1  }
0x9: {  	s18 =	sld [smem:$0x3FFB];
	_ =	sdelay $0x3  }
0xa: {  	_ =	strace s18  }
0xb: {  	s1 =	sld [smem:$0x3FFC];
	_ =	sdelay $0x3  }
0xc: {  	_ =	strace s1  }
0xd: {  	s1 =	sld [smem:$0x3FFD];
	_ =	sdelay $0x3  }
0xe: {  	_ =	strace s1  }
0xf: {  	_ =	strace $0x8FFFFFFF  }
0x10: {  	s19 =	sld [smem:$0x3FDB];
	_ =	sdelay $0x1  }
0x11: {  	s20 =	simm.s32 $_scs_section_size  }
0x12: {  	s4 =	simm.s32 $_size__tile_overlayer_lowered;
	s5 =	simm.s32 $_tile_overlayer_lowered  }
0x13: {  	s23 =	simm.s32 $0x1BFF;
	s22 =	sshll.u32 s5, $0x1;
	s1 =	sadd.s32 s20, s19  }
0x14: {  	s6 =	simm.s32 $0x0;
	s21 =	sshll.u32 s4, $0x1;
	s4 =	sadd.s32 s22, s1  }
0x15: {  	[timem:s6], [sflag:s23] =	dma.local [hbm:s4], s21  }
0x16: {  	_ =	swait.ge [sflag:s23], s21  }
0x17: {  	s2 =	ssub.s32 $0x0, s21;
	[sflag:s23] =	ssyncset.done $0x0  }
0x18: {  	[sflag:s23] =	ssyncadd.s32 s2;
	_ =	sdelay $0x1  }
0x19: {  	s24 =	simm.s32 $0x1B8B  }
0x1a: {  	_ =	swait.ge [sflag:s24], $0x1  }
0x1b: {  	[sflag:s24] =	ssyncset.done $0x0  }
0x1c: {  	s26 =	simm.s32 $0x1B8E;
	s25 =	sld [smem:$0x3FFE];
	[sflag:s24] =	ssyncadd.s32 $0xFFFFFFFF  }
0x1d: {  	s27 =	simm.s32 $execute0_lowered;
	[smem:$0x3FD2] =	sst s26  }
0x1e: {  	s4 =	sshll.u32 s27, $0x1;
	_ =	strace $0x80000046;
	[dreg:$0x1] =	wrdreg $0xFFFFFFFF  }
0x1f: {  	s28 =	simm.s32 $_size_execute0_lowered;
	s1 =	sadd.s32 s1, s4;
	[dreg:$0x0] =	wrdreg $0x0  }
0x20: {  	s4 =	sshll.u32 s28, $0x1;
	[dreg:$0x2] =	wrdreg s1  }
0x21: {  	[dreg:$0x3] =	wrdreg s4  }
0x22: {  	[dreg:$0x4] =	wrdreg $0xC0  }
0x23: {  	_ =	task [dreg:s6], $0x5FFFF  }
0x24: {  	[dreg:$0x1] =	wrdreg $0xFFFFFFFF  }
0x25: {  	[dreg:$0x0] =	wrdreg $0x60  }
0x26: {  	[dreg:$0x2] =	wrdreg s25  }
0x27: {  	[dreg:$0x3] =	wrdreg $0x9  }
0x28: {  	_ =	task.clear_ibuf [dreg:s6], $0x4FFFF;
	_ =	strace $0x90000046  }
0x29: {  	s29 =	simm.s32 $0x9;
	_ =	strace $0x80000048  }
0x2a: {  	_ =	swait.ge [sflag:s29], $0x1  }
0x2b: {  	[sflag:s29] =	ssyncadd.s32 $0xFFFFFFFF  }
0x2c: {  	_ =	strace $0x90000048  }
0x2d: {  	_ =	sfence  }
0x2e: {  	s30 =	sld [smem:$0x0];
	_ =	sdelay $0x2  }
0x2f: {  	s31 =	sshll.u32 s3, $0xD;
	s3 =	sshrl.u32 s3, $0x2  }
0x30: {  	s2 =	sand.u32 $0x4000, s31;
	s1 =	sadd.s32 s3, s30  }
0x31: {  	s0 =	sor.u32 s2, s0;
	s1 =	sshll.u32 s1, $0x11  }
0x32: {  	s0 =	sor.u32 s1, s0  }
0x33: {  	s0 =	sadd.s32 $0x8F2B, s0  }
0x34: {  	[sflag:s0] =	ssyncadd.remote.s32 $0x1  }
0x35: {  	_ =	sfence.sel $0xFFFF  }
0x36: {  	[dreg:$0x0] =	wrdreg $0xFFFFFFFF;
	(pc) =	sbr.abs _section_cstart, $3  }
0x37: {  	[dreg:$0x1] =	wrdreg $0xFFFFFFFF  }
0x38: {  	_ =	task.clear_ibuf [dreg:s6], $0x2FFFF;
	_ =	strace $0x9FFFFFFF  }
0x39: {  	(tm) =	ssettm $0x7FFFFFFF  }
tec
execute0_lowered:
.L_overlay_start_1:
0x0: {  	(tag) =	ssettag $0x1  }
0x1: {  	s0 =	srdreg.scid  }
0x2: {  	s1 =	sshll.u32 s0, $0x4  }
0x3: {  	s6 =	rddreg [dreg:$0x0];
	s0 =	stileid.u32;
	s1 =	sand.u32 $0x10, s1  }
0x4: {  	s5 =	simm.s32 $0x1;
	s31 =	simm.s32 $0x2;
	s1 =	sor.u32 s0, s1  }
0x5: {  	s13 =	simm.s32 $0x0;
	s8 =	simm.s32 $0x10000;
	s2 =	sshll.u32 s1, $0x7  }
0x6: {  	s12 =	simm.s32 $0x0;
	s9 =	simm.s32 $0x0;
	s3 =	ssub.s32 $0x2000, s2  }
0x7: {  	s11 =	simm.s32 $0x0;
	s1 =	rddreg [dreg:$0x1];
	s4 =	sand.u32 $0xF80, s3  }
.Ltmp0:
0x8: {  	_ =	strace $0x80000047;
	p0 =	sne.s32 s4, $0x0;
	(pc) =	sbr.rel .LBB1_1-.Ltmp0, $4  }
0x9: {  	s10 =	smov.u32 s2;
	s7 =	sshrl.u32 s3, $0xC;
	s5 =	simm.s32 @!p0 $0x0  }
0xa: {  	s3 =	sadd.s32 $0x400, s6;
	s4 =	simm.s32 $0x1;
	s5 =	sadd.s32 s5, s7  }
0xb: {  	s6 =	sadd.s32 $0x100400, s6;
	[sflag:s4] =	ssyncpa.u1 $0x0;
	s5 =	sshll.u32 s5, $0x3  }
0xc: {  	p0 =	por $0x0, $0x0;
	[sflag:s31] =	ssyncpa.u1 $0x0;
	s7 =	sor.u32 $0x1, s5  }
.LBB1_4:
0xd: {  	v5 =	vld [tilespmem:s16+$0xFFFFFFD0]  }
0xe: {  	[tilespmem:s17+$0x2040 ss:$0x81] =	vst.msk $0xffff, v1;
	v58 =	vld [tilespmem:s16+$0xFFFFFFE0]  }
0xf: {  	[tilespmem:s17+$0x2850 ss:$0x81] =	vst.msk $0xffff, v2;
	v59 =	vld [tilespmem:s16+$0xFFFFFFF0]  }
0x10: {  	s18 =	sshra.s32 s18, $0x2;
	[tilespmem:s17+$0x3060 ss:$0x81] =	vst.msk $0xffff, v3;
	v60 =	vld [tilespmem:s16+$0x0]  }
0x11: {  	[tilespmem:s17+$0x0 ss:$0x81] =	vst.msk $0xffff, v0;
	v61 =	vld [tilespmem:s16+$0x10];
	s15 =	sadd.s32 s18, s15  }
0x12: {  	s26 =	sshll.u32 s13, $0xD;
	v62 =	vld [tilespmem:s16+$0x20];
	[tilespmem:s15+$0x3870 ss:$0x81] =	vst.msk $0xffff, v4  }
0x13: {  	s27 =	sand.u32 $0x78, s12;
	s19 =	sshll.u32 s12, $0x3;
	v63 =	vld [tilespmem:s16+$0xFFFFFFC0];
	s29 =	sshll.u32 s13, $0x7;
	[tilespmem:s15+$0x810 ss:$0x81] =	vst.msk $0xffff, v5  }
0x14: {  	s17 =	sand.u32 $0x7F0000, s26;
	s28 =	sand.u32 $0x7FFC00, s19;
	s19 =	sand.u32 $0x1C00, s19;
	[tilespmem:s15+$0x1020 ss:$0x81] =	vst.msk $0xffff, v58  }
0x15: {  	s13 =	sand.u32 $0x380, s29;
	s16 =	sadd.s32 s28, s17;
	s30 =	sor.u32 s27, s19;
	[tilespmem:s15+$0x1830 ss:$0x81] =	vst.msk $0xffff, v59  }
0x16: {  	s16 =	sand.u32 $0x7FE000, s16;
	s13 =	sor.u32 s13, s30;
	[tilespmem:s15+$0x2040 ss:$0x81] =	vst.msk $0xffff, v60  }
0x17: {  	s31 =	sand.u32 $0x7, s12;
	s13 =	sor.u32 s16, s13;
	[tilespmem:s15+$0x2850 ss:$0x81] =	vst.msk $0xffff, v61  }
0x18: {  	s12 =	sshll.u32 s31, $0x12;
	[tilespmem:s15+$0x3060 ss:$0x81] =	vst.msk $0xffff, v62;
	s13 =	sshrl.u32 s13, $0x3  }
0x19: {  	s12 =	sor.u32 $0x400, s12;
	[tilespmem:s15+$0x0 ss:$0x81] =	vst.msk $0xffff, v63;
	s13 =	sadd.s32 s6, s13  }
0x1a: {  	[hbm4b:s13+s12] =	stream.strided.scatter [tilespmem:s14], [sflag:$0x2], $0x4000, s8, s12, $0x20;
	[tilespmem:$0x10100] =	vst v63  }
.LBB1_5:
0x1b: {  	s14 =	sadd.s32 $0x80, s9  }
0x1c: {  	s12 =	sadd.s32 $0x1000, s10;
	s16 =	smov.u32 s10;
	p2 =	sgt.s32 s14, $0x3FF  }
0x1d: {  	s16 =	smov.u32 @p2 s12  }
0x1e: {  	s14 =	simm.s32 @p2 $0x0;
	p2 =	sgt.s32 s16, $0x1FFF  }
0x1f: {  	s16 =	smov.u32 @p2 s2;
	p2 =	sne.s32 s11, s7  }
.Ltmp1:
0x20: {  	p1 =	slt.u32 s11, $0x2;
	(pc) =	sbr.rel @!p2 .LBB1_6-.Ltmp1, $4  }
0x21: {  	s15 =	simm.s32 @!p1 $0x2  }
0x22: {  	s13 =	smov.u32 s9;
	p0 =	por !p0, !p0;
	_ =	swait.ge @!p1 [sflag:s15], $0x4000  }
0x23: {  	s12 =	smov.u32 s10;
	[sflag:s15] =	ssyncset.done @!p1 $0x0;
	s9 =	smov.u32 s14  }
0x24: {  	s11 =	sadd.s32 $0x1, s11;
	[sflag:s15] =	ssyncadd.s32 @!p1 $0xFFFFC000;
	s10 =	smov.u32 s16  }
.LBB1_1:
0x25: {  	p1 =	sge.u32 s11, s5  }
0x26: {  	s31 =	sadd.s32 $0xFFFFFFFF, s11;
	s14 =	sshll.u32 @!p1 s10, $0xA  }
0x27: {  	s15 =	sshll.u32 @!p1 s9, $0x3;
	s16 =	sshll.u32 @!p1 s10, $0x7;
	s14 =	sand.u32 @!p1 $0x7FE000, s14  }
0x28: {  	s17 =	sand.u32 @!p1 $0x78, s9;
	s14 =	sadd.s32 @!p1 s14, s15;
	s15 =	sand.u32 @!p1 $0x380, s16  }
0x29: {  	s16 =	sxor.u32 @!p1 $0xFFFFFFFF, s11;
	s14 =	sand.u32 @!p1 $0x7FFC00, s14;
	s15 =	sor.u32 @!p1 s15, s17  }
0x2a: {  	s16 =	sshll.u32 @!p1 s16, $0xE;
	s14 =	sor.u32 @!p1 s14, s15;
	s15 =	sand.u32 @!p1 $0x7, s9  }
0x2b: {  	s17 =	simm.s32 @!p1 $0x2000;
	s14 =	sshrl.u32 @!p1 s14, $0x3;
	s15 =	sshll.u32 @!p1 s15, $0x12  }
0x2c: {  	s16 =	sand.u32 @!p1 $0x4000, s16;
	s14 =	sadd.s32 @!p1 s3, s14;
	s15 =	sor.u32 @!p1 $0x400, s15  }
0x2d: {  	[tilespmem:s16], [sflag:$0x1] =	stream.strided.gather @!p1 [hbm4b:s14+s15], $0x4000, s17, s15, $0x38;
	[tilespmem:$0x10100] =	vst v63  }
0x2e: {  	p1 =	sge.u32 s31, s5  }
.Ltmp2:
0x2f: {  	_ = 	snop;
	(pc) =	sbr.rel @p1 .LBB1_5-.Ltmp2, $1  }
0x30: {  	_ =	sdelay $0x3  }
0x31: {  	s14 =	simm.s32 $0x1  }
0x32: {  	_ =	swait.ge [sflag:s4], $0x4000;
	s14 =	simm.s32 @!p0 $0x0  }
0x33: {  	[sflag:s4] =	ssyncset.done $0x0;
	s15 =	sshll.u32 s14, $0xE  }
0x34: {  	[sflag:s4] =	ssyncadd.s32 $0xFFFFC000;
	s16 =	sor.u32 $0x40, s15  }
0x35: {  	s14 =	smul.u32 $0x10200, s14;
	v0 =	vld [tilespmem:s16+$0x30]  }
0x36: {  	v3 =	vld [tilespmem:s16+$0xFFFFFFD0]  }
0x37: {  	s14 =	sshrl.u32 s14, $0x2;
	v4 =	vld [tilespmem:s16+$0xFFFFFFE0]  }
0x38: {  	v5 =	vld [tilespmem:s16+$0xFFFFFFF0];
	s15 =	sor.u32 $0x8000, s14  }
0x39: {  	s31 =	sand.u32 $0x1, s11;
	v1 =	vld [tilespmem:s16+$0x0];
	s17 =	sadd.s32 $0x0, s15  }
0x3a: {  	v2 =	vld [tilespmem:s16+$0x10];
	s14 =	smul.u32 $0x10200, s31;
	[tilespmem:s17+$0x3870 ss:$0x81] =	vst.msk $0xffff, v0  }
0x3b: {  	[tilespmem:s17+$0x810 ss:$0x81] =	vst.msk $0xffff, v3;
	v3 =	vld [tilespmem:s16+$0x20]  }
0x3c: {  	s14 =	sshrl.u32 s14, $0x2;
	v0 =	vld [tilespmem:s16+$0xFFFFFFC0];
	[tilespmem:s17+$0x1020 ss:$0x81] =	vst.msk $0xffff, v4;
	s16 =	sadd.s32 $0x80, s16  }
0x3d: {  	s18 =	simm.s32 $0x4;
	s19 =	simm.s32 $0x8;
	s14 =	sor.u32 $0x8000, s14;
	[tilespmem:s17+$0x1830 ss:$0x81] =	vst.msk $0xffff, v5;
	v4 =	vld [tilespmem:s16+$0x30]  }
.LBB1_3:
0x3e: {  	p1 =	sne.s32 s19, $0x1FC;
	v5 =	vld [tilespmem:s16+$0xFFFFFFD0];
	[tilespmem:s17+$0x2040 ss:$0x81] =	vst.msk $0xffff, v1  }
0x3f: {  	v6 =	vld [tilespmem:s16+$0xFFFFFFE0];
	[tilespmem:s17+$0x2850 ss:$0x81] =	vst.msk $0xffff, v2  }
0x40: {  	s20 =	sshra.s32 s18, $0x2;
	s18 =	smov.u32 s19;
	v7 =	vld [tilespmem:s16+$0xFFFFFFF0];
	[tilespmem:s17+$0x3060 ss:$0x81] =	vst.msk $0xffff, v3  }
.Ltmp3:
0x41: {  	v1 =	vld [tilespmem:s16+$0x0];
	[tilespmem:s17+$0x0 ss:$0x81] =	vst.msk $0xffff, v0;
	s17 =	sadd.s32 s20, s15;
	(pc) =	sbr.rel @p1 .LBB1_3-.Ltmp3, $4  }
0x42: {  	v2 =	vld [tilespmem:s16+$0x10];
	[tilespmem:s17+$0x3870 ss:$0x81] =	vst.msk $0xffff, v4  }
0x43: {  	[tilespmem:s17+$0x810 ss:$0x81] =	vst.msk $0xffff, v5;
	v3 =	vld [tilespmem:s16+$0x20]  }
0x44: {  	v0 =	vld [tilespmem:s16+$0xFFFFFFC0];
	[tilespmem:s17+$0x1020 ss:$0x81] =	vst.msk $0xffff, v6;
	s16 =	sadd.s32 $0x80, s16  }
0x45: {  	s19 =	sadd.s32 $0x4, s19;
	v4 =	vld [tilespmem:s16+$0x30];
	[tilespmem:s17+$0x1830 ss:$0x81] =	vst.msk $0xffff, v7  }
.Ltmp4:
0x46: {  	_ = 	snop;
	(pc) =	sbr.rel .LBB1_4-.Ltmp4, $1  }
0x47: {  	_ =	sdelay $0x3  }
.LBB1_6:
0x48: {  	_ =	sfence.sel $0x180000  }
0x49: {  	s2 =	simm.s32 $0x1;
	[bflag:$0x0] =	sbarrier.arrive $0xFFFF  }
0x4a: {  	s31 =	simm.s32 $0x2;
	[sflag:s2] =	ssyncpa.u1 $0x1  }
0x4b: {  	[sflag:s31] =	ssyncpa.u1 $0x1  }
0x4c: {  	p0 =	sne.s32 s0, $0x0;
	_ =	strace $0x90000047  }
0x4d: {  	s0 =	sadd.s32 @!p0 $0x100000, s1;
	[bflag:$0x2] =	sbarrier.arrive $0xFFFF  }
0x4e: {  	[sflag:s0] =	ssyncadd.tile.s32 @!p0 $0x1;
	_ =	shalt  }
.Lfunc_end1:
_tile_overlayer_lowered:
.L_overlay_start_2:
0x4f: {  	(tag) =	ssettag $0x2  }
0x50: {  	s0 =	rddreg [dreg:$0x0];
	s2 =	stileid.u32  }
0x51: {  	s1 =	rddreg [dreg:$0x1];
	p0 =	sne.s32 s2, $0x0  }
0x52: {  	s3 =	rddreg [dreg:$0x2];
	[bflag:$0x3] =	sbarrier.arrive $0xFFFF;
	s2 =	simm.s32 @!p0 $0x1C01  }
0x53: {  	[timem:s3], [sflag:s2] =	dma.local @!p0 [hbm:s0], s1  }
0x54: {  	s0 =	simm.s32 @!p0 $0x1  }
0x55: {  	_ =	swait.ge @!p0 [sflag:s0], s1  }
0x56: {  	s1 =	ssub.s32 @!p0 $0x0, s1;
	[sflag:s0] =	ssyncset.done @!p0 $0x0  }
0x57: {  	[sflag:s0] =	ssyncadd.s32 @!p0 s1  }
0x58: {  	[bflag:$0x3] =	sbarrier.arrive $0xFFFF  }
0x59: {  	_ =	shalt  }

// kernel: sparse-core-data-format-call.cloned.1.call-start
scs
called_computation_lowered:
.L_overlay_start_0:
0x0: {  	s2 =	sld [smem:$0x3FD9]  }
0x1: {  	s3 =	sld [smem:$0x3FFE];
	_ =	sdelay $0x1  }
0x2: {  	s1 =	srdreg.scid  }
0x3: {  	s0 =	sand.u32 $0x1, s1  }
0x4: {  	s18 =	sshll.u32 s0, $0xA;
	s2 =	sadd.s32 s3, s2  }
0x5: {  	s2 =	sadd.s32 s2, s18  }
0x6: {  	[smem:$0x3FBF] =	sst s2  }
0x7: {  	_ = 	snop  }
0x8: {  	(tm) =	ssettm $0x1  }
0x9: {  	s19 =	sld [smem:$0x3FFB];
	_ =	sdelay $0x3  }
0xa: {  	_ =	strace s19  }
0xb: {  	s2 =	sld [smem:$0x3FFC];
	_ =	sdelay $0x3  }
0xc: {  	_ =	strace s2  }
0xd: {  	s2 =	sld [smem:$0x3FFD];
	_ =	sdelay $0x3  }
0xe: {  	_ =	strace s2  }
0xf: {  	_ =	strace $0x8FFFFFFF  }
0x10: {  	s20 =	sld [smem:$0x3FDB];
	_ =	sdelay $0x1  }
0x11: {  	s21 =	simm.s32 $_scs_section_size  }
0x12: {  	s4 =	simm.s32 $_size__tile_overlayer_lowered;
	s5 =	simm.s32 $_tile_overlayer_lowered  }
0x13: {  	s6 =	simm.s32 $0x1BFF;
	s22 =	sshll.u32 s5, $0x1;
	s3 =	sadd.s32 s21, s20  }
0x14: {  	s23 =	simm.s32 $0x0;
	s4 =	sshll.u32 s4, $0x1;
	s5 =	sadd.s32 s22, s3  }
0x15: {  	[timem:s23], [sflag:s6] =	dma.local [hbm:s5], s4  }
0x16: {  	_ =	swait.ge [sflag:s6], s4  }
0x17: {  	s4 =	ssub.s32 $0x0, s4;
	[sflag:s6] =	ssyncset.done $0x0  }
0x18: {  	[sflag:s6] =	ssyncadd.s32 s4;
	_ =	sdelay $0x1  }
0x19: {  	s24 =	simm.s32 $0x1B8B  }
0x1a: {  	_ =	swait.ge [sflag:s24], $0x1  }
0x1b: {  	[sflag:s24] =	ssyncset.done $0x0  }
0x1c: {  	[sflag:s24] =	ssyncadd.s32 $0xFFFFFFFF  }
0x1d: {  	s4 =	sld [smem:$0x0]  }
0x1e: {  	s5 =	sand.u32 $0xFFFFFFFE, s1  }
0x1f: {  	p0 =	sne.s32 s1, s5  }
0x20: {  	s5 =	sshll.u32 @p0 s5, $0xE  }
0x21: {  	s5 =	sadd.s32 @p0 $0x11B8D, s5;
	s6 =	sshll.u32 @p0 s4, $0x11  }
0x22: {  	s5 =	sor.u32 @p0 s6, s5  }
0x23: {  	[sflag:s5] =	ssyncadd.remote.s32 @p0 $0x1;
	_ =	sdelay $0x1  }
0x24: {  	s5 =	simm.s32 @p0 $0x1B8D  }
0x25: {  	_ =	swait.eq @p0 [sflag:s5], $0x1  }
0x26: {  	[sflag:s5] =	ssyncadd.s32 @p0 $0xFFFFFFFF  }
0x27: {  	s6 =	sshll.u32 @!p0 s1, $0xE  }
0x28: {  	s6 =	sor.u32 @!p0 $0x4000, s6;
	s5 =	simm.s32 @!p0 $0x1B8D  }
0x29: {  	s4 =	sshll.u32 @!p0 s4, $0x11;
	s6 =	sadd.s32 @!p0 $0x11B8D, s6;
	_ =	swait.eq @!p0 [sflag:s5], $0x1  }
0x2a: {  	s4 =	sor.u32 @!p0 s4, s6;
	[sflag:s5] =	ssyncadd.s32 @!p0 $0xFFFFFFFF  }
0x2b: {  	s26 =	simm.s32 $0x1B8E;
	s25 =	sld [smem:$0x3FFE];
	[sflag:s4] =	ssyncadd.remote.s32 @!p0 $0x1  }
0x2c: {  	s27 =	simm.s32 $execute0_lowered;
	[smem:$0x3FD2] =	sst s26  }
0x2d: {  	s5 =	sshll.u32 s27, $0x1;
	_ =	strace $0x8000004F;
	[dreg:$0x1] =	wrdreg $0xFFFFFFFF  }
0x2e: {  	s28 =	simm.s32 $_size_execute0_lowered;
	s3 =	sadd.s32 s3, s5;
	[dreg:$0x0] =	wrdreg $0x0  }
0x2f: {  	s5 =	sshll.u32 s28, $0x1;
	[dreg:$0x2] =	wrdreg s3  }
0x30: {  	[dreg:$0x3] =	wrdreg s5  }
0x31: {  	[dreg:$0x4] =	wrdreg $0xC0  }
0x32: {  	_ =	task [dreg:s23], $0x5FFFF  }
0x33: {  	[dreg:$0x1] =	wrdreg $0xFFFFFFFF  }
0x34: {  	[dreg:$0x0] =	wrdreg $0x60  }
0x35: {  	[dreg:$0x2] =	wrdreg s25  }
0x36: {  	[dreg:$0x3] =	wrdreg $0x9  }
0x37: {  	_ =	task.clear_ibuf [dreg:s23], $0x4FFFF;
	_ =	strace $0x9000004F  }
0x38: {  	s29 =	simm.s32 $0x9;
	_ =	strace $0x80000051  }
0x39: {  	_ =	swait.ge [sflag:s29], $0x1  }
0x3a: {  	[sflag:s29] =	ssyncadd.s32 $0xFFFFFFFF  }
0x3b: {  	_ =	strace $0x90000051  }
0x3c: {  	_ =	sfence  }
0x3d: {  	s30 =	sld [smem:$0x0];
	_ =	sdelay $0x2  }
0x3e: {  	s31 =	sshll.u32 s1, $0xD;
	s1 =	sshrl.u32 s1, $0x2  }
0x3f: {  	s4 =	sand.u32 $0x4000, s31;
	s1 =	sadd.s32 s1, s30  }
0x40: {  	s0 =	sor.u32 s4, s0;
	s1 =	sshll.u32 s1, $0x11  }
0x41: {  	s0 =	sor.u32 s1, s0  }
0x42: {  	s0 =	sadd.s32 $0x8F2B, s0  }
0x43: {  	[sflag:s0] =	ssyncadd.remote.s32 $0x1  }
0x44: {  	_ =	sfence.sel $0xFFFF  }
0x45: {  	[dreg:$0x0] =	wrdreg $0xFFFFFFFF;
	(pc) =	sbr.abs _section_cstart, $3  }
0x46: {  	[dreg:$0x1] =	wrdreg $0xFFFFFFFF  }
0x47: {  	_ =	task.clear_ibuf [dreg:s23], $0x2FFFF;
	_ =	strace $0x9FFFFFFF  }
0x48: {  	(tm) =	ssettm $0x7FFFFFFF  }
0x49: {  	_ =	shalt  }
tec
execute0_lowered:
.L_overlay_start_1:
0x0: {  	(tag) =	ssettag $0x1  }
0x1: {  	s0 =	stileid.u32;
	s1 =	srdreg.scid  }
0x2: {  	s7 =	rddreg [dreg:$0x0];
	s31 =	simm.s32 $0x2;
	s14 =	simm.s32 $0x0  }
0x3: {  	s13 =	simm.s32 $0x0;
	s12 =	simm.s32 $0x0;
	s2 =	sshll.u32 s0, $0x7  }
0x4: {  	s3 =	sshll.u32 s0, $0x4;
	s1 =	sshll.u32 s1, $0x8;
	s2 =	sand.u32 $0x380, s2  }
0x5: {  	s3 =	sor.u32 s3, s1;
	s1 =	rddreg [dreg:$0x1];
	_ =	strace $0x80000050  }
0x6: {  	s3 =	sand.u32 $0x180, s3;
	s4 =	ssub.s32 $0x400, s2;
	s11 =	smov.u32 s2  }
0x7: {  	s5 =	sand.u32 $0x380, s4;
	s6 =	ssub.s32 $0x3000, s3;
	s9 =	sshrl.u32 s4, $0xA  }
0x8: {  	p0 =	sne.s32 s5, $0x0;
	s5 =	simm.s32 $0x1;
	s8 =	sand.u32 $0x180, s6  }
0x9: {  	s5 =	simm.s32 @!p0 $0x0;
	p0 =	sne.s32 s8, $0x0;
	s8 =	simm.s32 $0x1  }
.Ltmp0:
0xa: {  	s6 =	sshrl.u32 s6, $0x9;
	s8 =	simm.s32 @!p0 $0x0;
	(pc) =	sbr.rel .LBB1_1-.Ltmp0, $4  }
0xb: {  	s4 =	simm.s32 $0x1;
	s5 =	sadd.s32 s5, s9;
	s6 =	sadd.s32 s8, s6  }
0xc: {  	s10 =	smov.u32 s3;
	[sflag:s4] =	ssyncpa.u1 $0x0;
	s5 =	smul.u32 s5, s6  }
0xd: {  	[sflag:s31] =	ssyncpa.u1 $0x0;
	p0 =	por $0x0, $0x0;
	s9 =	simm.s32 $0x2000  }
0xe: {  	s6 =	sadd.s32 $0x202000, s7;
	s7 =	sadd.s32 $0x400, s7;
	s8 =	sadd.s32 $0x1, s5  }
.LBB1_4:
0xf: {  	v5 =	vld [tilespmem:s18+$0xFFFFFFD0];
	[tilespmem:s17+$0x2040 ss:$0x81] =	vst.msk $0xffff, v4;
	s20 =	sshll.u32 s14, $0xA;
	s21 =	sshll.u32 s13, $0x3  }
0x10: {  	v58 =	vld [tilespmem:s18+$0xFFFFFFE0];
	[tilespmem:s17+$0x2850 ss:$0x81] =	vst.msk $0xffff, v3;
	s20 =	sand.u32 $0xFFFFE000, s20;
	s21 =	sand.u32 $0xFFFFFC00, s21  }
0x11: {  	s19 =	sshra.s32 s19, $0x2;
	v59 =	vld [tilespmem:s18+$0xFFFFFFF0];
	[tilespmem:s17+$0x3060 ss:$0x81] =	vst.msk $0xffff, v2;
	s20 =	sadd.s32 s21, s20  }
0x12: {  	v60 =	vld [tilespmem:s18+$0x0];
	[tilespmem:s17+$0x0 ss:$0x81] =	vst.msk $0xffff, v0;
	s16 =	sadd.s32 s19, s16;
	s26 =	sshrl.u32 s20, $0xA  }
0x13: {  	v61 =	vld [tilespmem:s18+$0x10];
	[tilespmem:s16+$0x3870 ss:$0x81] =	vst.msk $0xffff, v1;
	s27 =	smulhi.u32 $0x2AAAAB, s26  }
0x14: {  	v62 =	vld [tilespmem:s18+$0x20];
	[tilespmem:s16+$0x810 ss:$0x81] =	vst.msk $0xffff, v5  }
0x15: {  	v63 =	vld [tilespmem:s18+$0xFFFFFFC0];
	s28 =	sshll.u32 s14, $0x7;
	[tilespmem:s16+$0x1020 ss:$0x81] =	vst.msk $0xffff, v58;
	s29 =	sshrl.u32 s27, $0x3  }
0x16: {  	s30 =	sand.u32 $0x78, s13;
	s14 =	sand.u32 $0x380, s28;
	[tilespmem:s16+$0x1830 ss:$0x81] =	vst.msk $0xffff, v59;
	s18 =	smul.u32 $0x3000, s29  }
0x17: {  	s14 =	sor.u32 s30, s14;
	[tilespmem:s16+$0x2040 ss:$0x81] =	vst.msk $0xffff, v60  }
0x18: {  	s31 =	sand.u32 $0x7, s13;
	s14 =	sshrl.u32 s14, $0x3;
	[tilespmem:s16+$0x2850 ss:$0x81] =	vst.msk $0xffff, v61;
	s17 =	ssub.s32 s26, s18  }
0x19: {  	s13 =	sshll.u32 s31, $0x12;
	s14 =	sadd.s32 s7, s14;
	[tilespmem:s16+$0x3060 ss:$0x81] =	vst.msk $0xffff, v62;
	s17 =	sshll.u32 s17, $0x7  }
0x1a: {  	s13 =	sor.u32 $0x400, s13;
	[tilespmem:s16+$0x0 ss:$0x81] =	vst.msk $0xffff, v63;
	s14 =	sadd.s32 s17, s14  }
0x1b: {  	[hbm4b:s14+s13] =	stream.strided.scatter [tilespmem:s15], [sflag:$0x2], $0x4000, s9, s13, $0x20;
	[tilespmem:$0x10100] =	vst v63  }
.LBB1_5:
0x1c: {  	s15 =	sadd.s32 $0x200, s10  }
0x1d: {  	s13 =	sadd.s32 $0x400, s11;
	s17 =	smov.u32 s11;
	p2 =	sgt.s32 s15, $0x2FFF  }
0x1e: {  	s17 =	smov.u32 @p2 s13  }
0x1f: {  	s15 =	smov.u32 @p2 s3;
	p2 =	sgt.s32 s17, $0x3FF  }
0x20: {  	s17 =	smov.u32 @p2 s2;
	p2 =	sne.s32 s12, s8  }
.Ltmp1:
0x21: {  	p1 =	slt.u32 s12, $0x2;
	(pc) =	sbr.rel @!p2 .LBB1_6-.Ltmp1, $4  }
0x22: {  	s16 =	simm.s32 @!p1 $0x2  }
0x23: {  	s14 =	smov.u32 s10;
	p0 =	por !p0, !p0;
	_ =	swait.ge @!p1 [sflag:s16], $0x4000  }
0x24: {  	s13 =	smov.u32 s11;
	[sflag:s16] =	ssyncset.done @!p1 $0x0;
	s10 =	smov.u32 s15  }
0x25: {  	s12 =	sadd.s32 $0x1, s12;
	[sflag:s16] =	ssyncadd.s32 @!p1 $0xFFFFC000;
	s11 =	smov.u32 s17  }
.LBB1_1:
0x26: {  	p1 =	sge.u32 s12, s5  }
0x27: {  	s15 =	sshrl.u32 @!p1 s11, $0x3  }
0x28: {  	s16 =	sshll.u32 @!p1 s10, $0x3;
	s17 =	sshll.u32 @!p1 s11, $0x7;
	s15 =	smul.u32 @!p1 $0x18000, s15  }
0x29: {  	s18 =	sand.u32 @!p1 $0x7F, s10;
	s16 =	sand.u32 @!p1 $0xFFFFFC00, s16;
	s17 =	sand.u32 @!p1 $0x380, s17  }
0x2a: {  	s15 =	sadd.s32 @!p1 s15, s16;
	s16 =	sor.u32 @!p1 s18, s17  }
0x2b: {  	s16 =	sor.u32 @!p1 s15, s16  }
0x2c: {  	s17 =	smulhi.u32 @!p1 $0xAAAAAAAB, s16;
	_ =	sdelay $0x1  }
0x2d: {  	s15 =	smulhi.u32 @!p1 $0xAAAAAAAB, s15;
	s17 =	sshrl.u32 @!p1 s17, $0xD  }
0x2e: {  	s17 =	smul.u32 @!p1 $0x3000, s17  }
0x2f: {  	s31 =	sadd.s32 $0xFFFFFFFF, s12;
	s18 =	sxor.u32 @!p1 $0xFFFFFFFF, s12;
	s15 =	sshrl.u32 @!p1 s15, $0xD  }
0x30: {  	s18 =	sshll.u32 @!p1 s18, $0xE;
	s15 =	sand.u32 @!p1 $0x3FF, s15;
	s16 =	ssub.s32 @!p1 s16, s17  }
0x31: {  	s15 =	smul.u32 @!p1 $0x600, s15;
	s17 =	sshrl.u32 @!p1 s16, $0x3;
	s16 =	sand.u32 @!p1 $0x7, s16  }
0x32: {  	s18 =	sand.u32 @!p1 $0x4000, s18;
	s17 =	sadd.s32 @!p1 s6, s17;
	s16 =	sshll.u32 @!p1 s16, $0x12  }
0x33: {  	s15 =	sadd.s32 @!p1 s15, s17;
	s16 =	sor.u32 @!p1 $0x400, s16;
	s17 =	simm.s32 @!p1 $0x18000  }
0x34: {  	[tilespmem:s18], [sflag:$0x1] =	stream.strided.gather @!p1 [hbm4b:s15+s16], $0x4000, s17, s16, $0x38;
	[tilespmem:$0x10100] =	vst v63  }
0x35: {  	p1 =	sge.u32 s31, s5  }
.Ltmp2:
0x36: {  	_ = 	snop;
	(pc) =	sbr.rel @p1 .LBB1_5-.Ltmp2, $1  }
0x37: {  	_ =	sdelay $0x3  }
0x38: {  	s15 =	simm.s32 $0x1  }
0x39: {  	_ =	swait.ge [sflag:s4], $0x4000;
	s15 =	simm.s32 @!p0 $0x0  }
0x3a: {  	[sflag:s4] =	ssyncset.done $0x0;
	s16 =	sshll.u32 s15, $0xE  }
0x3b: {  	[sflag:s4] =	ssyncadd.s32 $0xFFFFC000;
	s18 =	sor.u32 $0x40, s16  }
0x3c: {  	s15 =	smul.u32 $0x10200, s15;
	v0 =	vld [tilespmem:s18+$0x30]  }
0x3d: {  	v1 =	vld [tilespmem:s18+$0xFFFFFFD0]  }
0x3e: {  	s15 =	sshrl.u32 s15, $0x2;
	v5 =	vld [tilespmem:s18+$0xFFFFFFE0]  }
0x3f: {  	v6 =	vld [tilespmem:s18+$0xFFFFFFF0];
	s16 =	sor.u32 $0x8000, s15  }
0x40: {  	s31 =	sand.u32 $0x1, s12;
	v4 =	vld [tilespmem:s18+$0x0];
	s17 =	sadd.s32 $0x0, s16  }
0x41: {  	v3 =	vld [tilespmem:s18+$0x10];
	s15 =	smul.u32 $0x10200, s31;
	[tilespmem:s17+$0x3870 ss:$0x81] =	vst.msk $0xffff, v0  }
0x42: {  	v2 =	vld [tilespmem:s18+$0x20];
	[tilespmem:s17+$0x810 ss:$0x81] =	vst.msk $0xffff, v1  }
0x43: {  	s15 =	sshrl.u32 s15, $0x2;
	v0 =	vld [tilespmem:s18+$0xFFFFFFC0];
	[tilespmem:s17+$0x1020 ss:$0x81] =	vst.msk $0xffff, v5;
	s18 =	sadd.s32 $0x80, s18  }
0x44: {  	s19 =	simm.s32 $0x4;
	s20 =	simm.s32 $0x8;
	s15 =	sor.u32 $0x8000, s15;
	[tilespmem:s17+$0x1830 ss:$0x81] =	vst.msk $0xffff, v6;
	v1 =	vld [tilespmem:s18+$0x30]  }
.LBB1_3:
0x45: {  	p1 =	sne.s32 s20, $0x1FC;
	v5 =	vld [tilespmem:s18+$0xFFFFFFD0];
	[tilespmem:s17+$0x2040 ss:$0x81] =	vst.msk $0xffff, v4  }
0x46: {  	v6 =	vld [tilespmem:s18+$0xFFFFFFE0];
	[tilespmem:s17+$0x2850 ss:$0x81] =	vst.msk $0xffff, v3  }
0x47: {  	s21 =	sshra.s32 s19, $0x2;
	s19 =	smov.u32 s20;
	v7 =	vld [tilespmem:s18+$0xFFFFFFF0];
	[tilespmem:s17+$0x3060 ss:$0x81] =	vst.msk $0xffff, v2  }
.Ltmp3:
0x48: {  	v4 =	vld [tilespmem:s18+$0x0];
	[tilespmem:s17+$0x0 ss:$0x81] =	vst.msk $0xffff, v0;
	s17 =	sadd.s32 s21, s16;
	(pc) =	sbr.rel @p1 .LBB1_3-.Ltmp3, $4  }
0x49: {  	v3 =	vld [tilespmem:s18+$0x10];
	[tilespmem:s17+$0x3870 ss:$0x81] =	vst.msk $0xffff, v1  }
0x4a: {  	[tilespmem:s17+$0x810 ss:$0x81] =	vst.msk $0xffff, v5;
	v2 =	vld [tilespmem:s18+$0x20]  }
0x4b: {  	v0 =	vld [tilespmem:s18+$0xFFFFFFC0];
	[tilespmem:s17+$0x1020 ss:$0x81] =	vst.msk $0xffff, v6;
	s18 =	sadd.s32 $0x80, s18  }
0x4c: {  	s20 =	sadd.s32 $0x4, s20;
	v1 =	vld [tilespmem:s18+$0x30];
	[tilespmem:s17+$0x1830 ss:$0x81] =	vst.msk $0xffff, v7  }
.Ltmp4:
0x4d: {  	_ = 	snop;
	(pc) =	sbr.rel .LBB1_4-.Ltmp4, $1  }
0x4e: {  	_ =	sdelay $0x3  }
.LBB1_6:
0x4f: {  	_ =	sfence.sel $0x180000  }
0x50: {  	s2 =	simm.s32 $0x1;
	[bflag:$0x0] =	sbarrier.arrive $0xFFFF  }
0x51: {  	s31 =	simm.s32 $0x2;
	[sflag:s2] =	ssyncpa.u1 $0x1  }
0x52: {  	[sflag:s31] =	ssyncpa.u1 $0x1  }
0x53: {  	p0 =	sne.s32 s0, $0x0;
	_ =	strace $0x90000050  }
0x54: {  	s0 =	sadd.s32 @!p0 $0x100000, s1;
	[bflag:$0x2] =	sbarrier.arrive $0xFFFF  }
0x55: {  	[sflag:s0] =	ssyncadd.tile.s32 @!p0 $0x1;
	_ =	shalt  }
.Lfunc_end1:
_tile_overlayer_lowered:
.L_overlay_start_2:
0x56: {  	(tag) =	ssettag $0x2  }
0x57: {  	s0 =	rddreg [dreg:$0x0];
	s2 =	stileid.u32  }
0x58: {  	s1 =	rddreg [dreg:$0x1];
	p0 =	sne.s32 s2, $0x0  }
0x59: {  	s3 =	rddreg [dreg:$0x2];
	[bflag:$0x3] =	sbarrier.arrive $0xFFFF;
	s2 =	simm.s32 @!p0 $0x1C01  }
0x5a: {  	[timem:s3], [sflag:s2] =	dma.local @!p0 [hbm:s0], s1  }
0x5b: {  	s0 =	simm.s32 @!p0 $0x1  }
0x5c: {  	_ =	swait.ge @!p0 [sflag:s0], s1  }
0x5d: {  	s1 =	ssub.s32 @!p0 $0x0, s1;
	[sflag:s0] =	ssyncset.done @!p0 $0x0  }
0x5e: {  	[sflag:s0] =	ssyncadd.s32 @!p0 s1  }
0x5f: {  	[bflag:$0x3] =	sbarrier.arrive $0xFFFF  }
0x60: {  	_ =	shalt  }

</sc_bundles>
